<compile_context>
chip_gen: v7x
topology: tpu7x:2x2x1
jax: 0.10.2.dev20260603
libtpu: 0.0.44.dev20260713+nightly
codegen_flags: <defaults>
</compile_context>

<pallas_src>
import jax
import jax.numpy as jnp
from jax import lax
from jax.experimental import pallas as pl
from jax.experimental.pallas import tpu as pltpu
from jax.experimental.pallas import tpu_sc as plsc

_B = 16384
_D = 512
_NW = 32
_BPW = _B // _NW
_CH = 64
_NCH = _BPW // _CH

_BB = 2048


def _gather_body(pol_hbm, comp_hbm, srcidx_hbm, compidx_hbm,
                 gsrc_out, gdst_out, idx_s, idx_c, rows0, rows1, sem0, sem1):
    c = lax.axis_index("c")
    s = lax.axis_index("s")
    wid = s * 2 + c
    base = wid * _BPW
    pltpu.sync_copy(srcidx_hbm.at[wid], idx_s)
    pltpu.sync_copy(compidx_hbm.at[wid], idx_c)

    bufs = (rows0, rows1)
    sems = (sem0, sem1)

    def run_table(table_hbm, idx_v, out_hbm):
        def start(i):
            return pltpu.async_copy(
                table_hbm.at[idx_v.at[i]], bufs[i % 2], sems[i % 2])
        pending = start(0)
        for i in range(_NCH):
            pending.wait()
            if i + 1 < _NCH:
                pending = start(i + 1)
            pltpu.sync_copy(bufs[i % 2], out_hbm.at[pl.ds(base + i * _CH, _CH)])

    run_table(pol_hbm, idx_s, gsrc_out)
    run_table(comp_hbm, idx_c, gdst_out)


def _sc_gather(x_pol, x_comp, src_idx, comp_idx):
    mesh = plsc.VectorSubcoreMesh(core_axis_name="c", subcore_axis_name="s")
    f32 = jnp.float32
    k = pl.kernel(
        _gather_body,
        out_type=[jax.ShapeDtypeStruct((_B, _D), f32),
                  jax.ShapeDtypeStruct((_B, _D), f32)],
        mesh=mesh,
        scratch_types=[
            pltpu.VMEM((_NCH, _CH), jnp.int32),
            pltpu.VMEM((_NCH, _CH), jnp.int32),
            pltpu.VMEM((_CH, _D), f32),
            pltpu.VMEM((_CH, _D), f32),
            pltpu.SemaphoreType.DMA,
            pltpu.SemaphoreType.DMA,
        ],
    )
    return k(x_pol, x_comp,
             src_idx.reshape(_NW, _NCH, _CH), comp_idx.reshape(_NW, _NCH, _CH))


def _fold_body(Wp, Wc, Wf, Wd1, bp, bc, bf, bd1, M1t, M2t, h0):
    hi = jax.lax.Precision.HIGHEST
    Wf2 = Wf[:, 256:]
    D1s = Wd1[:, :256]
    D1d = Wd1[:, 256:]
    dn = (((1,), (0,)), ((), ()))
    Q1 = lax.dot_general(D1s[...], Wf2, dn, precision=hi)
    Q2 = lax.dot_general(D1d[...], Wf2, dn, precision=hi)
    M1t[...] = lax.dot_general(Q1, Wp[...], dn, precision=hi)
    M2t[...] = lax.dot_general(Q2, Wc[...], dn, precision=hi)
    dt = (((1,), (1,)), ((), ()))
    h0[...] = (lax.dot_general(bp[...], Q1, dt, precision=hi)
               + lax.dot_general(bc[...], Q2, dt, precision=hi)
               + lax.dot_general(bf[...], D1s[...] + D1d[...], dt, precision=hi)
               + bd1[...])


def _fold_weights(Wp, Wc, Wf, Wd1, bp2, bc2, bf2, bd12):
    f32 = jnp.float32
    full = lambda shape: pl.BlockSpec(shape, lambda: (0, 0))
    return pl.pallas_call(
        _fold_body,
        out_shape=[jax.ShapeDtypeStruct((64, _D), f32),
                   jax.ShapeDtypeStruct((64, _D), f32),
                   jax.ShapeDtypeStruct((1, 64), f32)],
        in_specs=[full((256, _D)), full((256, _D)), full((256, _D)),
                  full((64, _D)), full((1, 256)), full((1, 256)),
                  full((1, 256)), full((1, 64))],
        out_specs=[full((64, _D)), full((64, _D)), full((1, 64))],
    )(Wp, Wc, Wf, Wd1, bp2, bc2, bf2, bd12)


def _decode_body(gs, gd, M1t, M2t, h0, w2, b2, out):
    dt = (((1,), (1,)), ((), ()))
    acc = (lax.dot_general(gs[...], M1t[...], dt)
           + lax.dot_general(gd[...], M2t[...], dt)
           + h0[...])
    h = jnp.maximum(acc, 0.0)
    logits = jnp.sum(h * w2[...], axis=1, keepdims=True) + b2[0, 0]
    out[...] = jax.nn.sigmoid(logits)


def _decode(gs, gd, M1t, M2t, h0, w2, b2):
    f32 = jnp.float32
    nb = gs.shape[0]
    grid = (nb // _BB,)
    return pl.pallas_call(
        _decode_body,
        grid=grid,
        out_shape=jax.ShapeDtypeStruct((nb, 1), f32),
        in_specs=[
            pl.BlockSpec((_BB, _D), lambda i: (i, 0)),
            pl.BlockSpec((_BB, _D), lambda i: (i, 0)),
            pl.BlockSpec((64, _D), lambda i: (0, 0)),
            pl.BlockSpec((64, _D), lambda i: (0, 0)),
            pl.BlockSpec((1, 64), lambda i: (0, 0)),
            pl.BlockSpec((1, 64), lambda i: (0, 0)),
            pl.BlockSpec((1, 1), lambda i: (0, 0)),
        ],
        out_specs=pl.BlockSpec((_BB, 1), lambda i: (i, 0)),
    )(gs, gd, M1t, M2t, h0, w2, b2)


def kernel(src, dst, t, msg, x_pol, x_comp, memory,
           Wp, bp, Wc, bc, Wf, bf, Wd1, bd1, Wd2, bd2):
    n_pol = x_pol.shape[0]
    n_comp = x_comp.shape[0]
    src_i = src.astype(jnp.int32)
    comp_idx = jnp.clip(dst - n_pol, 0, n_comp - 1).astype(jnp.int32)
    M1t, M2t, h0 = _fold_weights(
        Wp, Wc, Wf, Wd1, bp[None, :], bc[None, :], bf[None, :], bd1[None, :])
    gs, gd = _sc_gather(x_pol, x_comp, src_i, comp_idx)
    return _decode(gs, gd, M1t, M2t, h0, Wd2, bd2[None, :])

# --- scband reference (transcript-rebuilt; emitter-appended) ---
"""Pipeline reference for scband-gaptgn-36361193128007 (READ-ONLY COPY).

The authoritative reference and input builder live on the scoring server;
editing this copy changes nothing except your own understanding.
"""

import jax, jax.numpy as jnp
import numpy as np

B = 16384
N_POL = 50000
N_COMP = 50000
NUM_NODES = 100000
D_POL = 512
D_COMP = 512
MEM = 256
EMB = 256
EDGE = 128

def setup_inputs(seed: int = 0) -> dict:
    key = jax.random.key(seed)
    ks = jax.random.split(key, 20)
    src = jax.random.randint(ks[0], (B,), 0, N_POL)
    dst = jax.random.randint(ks[1], (B,), 0, NUM_NODES)
    t = jax.random.uniform(ks[2], (B,), dtype=jnp.float32)
    msg = jax.random.normal(ks[3], (B, EDGE), dtype=jnp.float32)
    x_pol = jax.random.normal(ks[4], (N_POL, D_POL), dtype=jnp.float32)
    x_comp = jax.random.normal(ks[5], (N_COMP, D_COMP), dtype=jnp.float32)
    # persistent node memory buffer (reset_memory -> zeros)
    memory = jnp.zeros((NUM_NODES, MEM), dtype=jnp.float32)
    def lin(k, out_d, in_d):
        kw, kb = jax.random.split(k)
        s = 1.0 / np.sqrt(in_d)
        W = jax.random.uniform(kw, (out_d, in_d), minval=-s, maxval=s, dtype=jnp.float32)
        b = jax.random.uniform(kb, (out_d,), minval=-s, maxval=s, dtype=jnp.float32)
        return W, b
    Wp, bp = lin(ks[6], EMB, D_POL)        # pol_proj
    Wc, bc = lin(ks[7], EMB, D_COMP)       # comp_proj
    Wf, bf = lin(ks[8], EMB, MEM + EMB)    # fusion
    Wd1, bd1 = lin(ks[9], 64, EMB * 2)     # decoder[0]
    Wd2, bd2 = lin(ks[10], 1, 64)          # decoder[2]
    return {"src": src, "dst": dst, "t": t, "msg": msg, "x_pol": x_pol,
            "x_comp": x_comp, "memory": memory,
            "Wp": Wp, "bp": bp, "Wc": Wc, "bc": bc, "Wf": Wf, "bf": bf,
            "Wd1": Wd1, "bd1": bd1, "Wd2": Wd2, "bd2": bd2}


def reference(src, dst, t, msg, x_pol, x_comp, memory,
              Wp, bp, Wc, bc, Wf, bf, Wd1, bd1, Wd2, bd2):
    mem_src = jnp.take(memory, src, axis=0)
    mem_dst = jnp.take(memory, dst, axis=0)
    feat_src = jnp.take(x_pol, src, axis=0) @ Wp.T + bp
    offset = x_pol.shape[0]
    comp_idx = jnp.clip(dst - offset, 0, x_comp.shape[0] - 1)
    feat_dst = jnp.take(x_comp, comp_idx, axis=0) @ Wc.T + bc
    emb_src = jnp.concatenate([mem_src, feat_src], axis=1) @ Wf.T + bf
    emb_dst = jnp.concatenate([mem_dst, feat_dst], axis=1) @ Wf.T + bf
    combined = jnp.concatenate([emb_src, emb_dst], axis=1)
    h = jax.nn.relu(combined @ Wd1.T + bd1)
    logits = h @ Wd2.T + bd2
    return jax.nn.sigmoid(logits)

if __name__ == "__main__":
    import jax
    _d = setup_inputs()
    print(jax.jit(kernel)(*tuple(_d.values())))

</pallas_src>

<mosaic_0001>
#map = affine_map<(d0, d1) -> (0, 0)>
#map1 = affine_map<(d0, d1) -> (0, 0, 0)>
module attributes {stable_mosaic.version = 14 : i64} {
  func.func @_gather_body(%arg0: i32, %arg1: i32, %arg2: memref<50000x512xf32, #tpu.memory_space<hbm>>, %arg3: memref<50000x512xf32, #tpu.memory_space<hbm>>, %arg4: memref<32x8x64xi32, #tpu.memory_space<hbm>>, %arg5: memref<32x8x64xi32, #tpu.memory_space<hbm>>, %arg6: memref<16384x512xf32, #tpu.memory_space<hbm>>, %arg7: memref<16384x512xf32, #tpu.memory_space<hbm>>, %arg8: memref<8x64xi32, #tpu.memory_space<vmem>>, %arg9: memref<8x64xi32, #tpu.memory_space<vmem>>, %arg10: memref<64x512xf32, #tpu.memory_space<vmem>>, %arg11: memref<64x512xf32, #tpu.memory_space<vmem>>, %arg12: memref<!tpu.dma_semaphore, #tpu.memory_space<semaphore_mem>>, %arg13: memref<!tpu.dma_semaphore, #tpu.memory_space<semaphore_mem>>) attributes {dimension_semantics = [#tpu.dimension_semantics<core_parallel>, #tpu.dimension_semantics<subcore_parallel>], iteration_bounds = array<i64: 2, 16>, scalar_prefetch = 0 : i64, scratch_operands = 6 : i64, tpu.core_type = #tpu.core_type<sc_vector_subcore>, window_params = [{transform_indices = #map}, {transform_indices = #map}, {transform_indices = #map1}, {transform_indices = #map1}, {transform_indices = #map}, {transform_indices = #map}]} {
    %mul3A = arith.constant 2 : i32
    %mul3A_0 = arith.muli %arg1, %mul3A : i32
    %add3A = arith.addi %mul3A_0, %arg0 : i32
    %mul3A_1 = arith.constant 512 : i32
    %mul3A_2 = arith.muli %add3A, %mul3A_1 : i32
    "tpu.region"() ({
      %run_scoped3A = tpu.sem_alloc : memref<!tpu.dma_semaphore, #tpu.memory_space<semaphore_mem>>
      %dma_start3A_257 = arith.constant 0 : i32
      %dma_start3A_258 = arith.constant 0 : i32
      %dma_start3A_259 = tpu.memref_slice %arg4[%add3A, %dma_start3A_257, %dma_start3A_258] : memref<32x8x64xi32, #tpu.memory_space<hbm>> -> memref<1x8x64xi32, #tpu.memory_space<hbm>>
      %dma_start3A_260 = tpu.memref_squeeze %dma_start3A_259 : memref<1x8x64xi32, #tpu.memory_space<hbm>> -> memref<8x64xi32, #tpu.memory_space<hbm>>
      %dma_start3A_261 = arith.constant 0 : i32
      %dma_start3A_262 = arith.constant 0 : i32
      %dma_start3A_263 = tpu.memref_slice %arg4[%add3A, %dma_start3A_261, %dma_start3A_262] : memref<32x8x64xi32, #tpu.memory_space<hbm>> -> memref<1x8x64xi32, #tpu.memory_space<hbm>>
      %dma_start3A_264 = tpu.memref_squeeze %dma_start3A_263 : memref<1x8x64xi32, #tpu.memory_space<hbm>> -> memref<8x64xi32, #tpu.memory_space<hbm>>
      tpu.enqueue_dma source(%dma_start3A_264 : memref<8x64xi32, #tpu.memory_space<hbm>>) target(%arg8 : memref<8x64xi32, #tpu.memory_space<vmem>>) target_semaphore(%run_scoped3A : memref<!tpu.dma_semaphore, #tpu.memory_space<semaphore_mem>>)
      %dma_wait3A_265 = arith.constant 0 : i32
      %dma_wait3A_266 = arith.constant 0 : i32
      %dma_wait3A_267 = tpu.memref_slice %arg4[%add3A, %dma_wait3A_265, %dma_wait3A_266] : memref<32x8x64xi32, #tpu.memory_space<hbm>> -> memref<1x8x64xi32, #tpu.memory_space<hbm>>
      %dma_wait3A_268 = tpu.memref_squeeze %dma_wait3A_267 : memref<1x8x64xi32, #tpu.memory_space<hbm>> -> memref<8x64xi32, #tpu.memory_space<hbm>>
      %dma_wait3A_269 = arith.constant 0 : i32
      %dma_wait3A_270 = arith.constant 0 : i32
      %dma_wait3A_271 = tpu.memref_slice %arg4[%add3A, %dma_wait3A_269, %dma_wait3A_270] : memref<32x8x64xi32, #tpu.memory_space<hbm>> -> memref<1x8x64xi32, #tpu.memory_space<hbm>>
      %dma_wait3A_272 = tpu.memref_squeeze %dma_wait3A_271 : memref<1x8x64xi32, #tpu.memory_space<hbm>> -> memref<8x64xi32, #tpu.memory_space<hbm>>
      tpu.wait_dma2 semaphore(%run_scoped3A : memref<!tpu.dma_semaphore, #tpu.memory_space<semaphore_mem>>) src(%dma_wait3A_272 : memref<8x64xi32, #tpu.memory_space<hbm>>) dst(%arg8 : memref<8x64xi32, #tpu.memory_space<vmem>>)
      tpu.yield
    }) : () -> ()
    "tpu.region"() ({
      %run_scoped3A = tpu.sem_alloc : memref<!tpu.dma_semaphore, #tpu.memory_space<semaphore_mem>>
      %dma_start3A_257 = arith.constant 0 : i32
      %dma_start3A_258 = arith.constant 0 : i32
      %dma_start3A_259 = tpu.memref_slice %arg5[%add3A, %dma_start3A_257, %dma_start3A_258] : memref<32x8x64xi32, #tpu.memory_space<hbm>> -> memref<1x8x64xi32, #tpu.memory_space<hbm>>
      %dma_start3A_260 = tpu.memref_squeeze %dma_start3A_259 : memref<1x8x64xi32, #tpu.memory_space<hbm>> -> memref<8x64xi32, #tpu.memory_space<hbm>>
      %dma_start3A_261 = arith.constant 0 : i32
      %dma_start3A_262 = arith.constant 0 : i32
      %dma_start3A_263 = tpu.memref_slice %arg5[%add3A, %dma_start3A_261, %dma_start3A_262] : memref<32x8x64xi32, #tpu.memory_space<hbm>> -> memref<1x8x64xi32, #tpu.memory_space<hbm>>
      %dma_start3A_264 = tpu.memref_squeeze %dma_start3A_263 : memref<1x8x64xi32, #tpu.memory_space<hbm>> -> memref<8x64xi32, #tpu.memory_space<hbm>>
      tpu.enqueue_dma source(%dma_start3A_264 : memref<8x64xi32, #tpu.memory_space<hbm>>) target(%arg9 : memref<8x64xi32, #tpu.memory_space<vmem>>) target_semaphore(%run_scoped3A : memref<!tpu.dma_semaphore, #tpu.memory_space<semaphore_mem>>)
      %dma_wait3A_265 = arith.constant 0 : i32
      %dma_wait3A_266 = arith.constant 0 : i32
      %dma_wait3A_267 = tpu.memref_slice %arg5[%add3A, %dma_wait3A_265, %dma_wait3A_266] : memref<32x8x64xi32, #tpu.memory_space<hbm>> -> memref<1x8x64xi32, #tpu.memory_space<hbm>>
      %dma_wait3A_268 = tpu.memref_squeeze %dma_wait3A_267 : memref<1x8x64xi32, #tpu.memory_space<hbm>> -> memref<8x64xi32, #tpu.memory_space<hbm>>
      %dma_wait3A_269 = arith.constant 0 : i32
      %dma_wait3A_270 = arith.constant 0 : i32
      %dma_wait3A_271 = tpu.memref_slice %arg5[%add3A, %dma_wait3A_269, %dma_wait3A_270] : memref<32x8x64xi32, #tpu.memory_space<hbm>> -> memref<1x8x64xi32, #tpu.memory_space<hbm>>
      %dma_wait3A_272 = tpu.memref_squeeze %dma_wait3A_271 : memref<1x8x64xi32, #tpu.memory_space<hbm>> -> memref<8x64xi32, #tpu.memory_space<hbm>>
      tpu.wait_dma2 semaphore(%run_scoped3A : memref<!tpu.dma_semaphore, #tpu.memory_space<semaphore_mem>>) src(%dma_wait3A_272 : memref<8x64xi32, #tpu.memory_space<hbm>>) dst(%arg9 : memref<8x64xi32, #tpu.memory_space<vmem>>)
      tpu.yield
    }) : () -> ()
    %dma_start3A = arith.constant 0 : i32
    %dma_start3A_3 = arith.constant 0 : i32
    %dma_start3A_4 = tpu.memref_slice %arg8[%dma_start3A, %dma_start3A_3] : memref<8x64xi32, #tpu.memory_space<vmem>> -> memref<1x64xi32, #tpu.memory_space<vmem>>
    %dma_start3A_5 = tpu.memref_squeeze %dma_start3A_4 : memref<1x64xi32, #tpu.memory_space<vmem>> -> memref<64xi32, #tpu.memory_space<vmem>>
    %dma_start3A_6 = arith.constant 0 : i32
    %dma_start3A_7 = arith.constant 0 : i32
    %dma_start3A_8 = tpu.memref_slice %arg2[%dma_start3A_6, %dma_start3A_7] : memref<50000x512xf32, #tpu.memory_space<hbm>> -> memref<50000x512xf32, #tpu.memory_space<hbm>>
    tpu.enqueue_indirect_dma source(%dma_start3A_8 : memref<50000x512xf32, #tpu.memory_space<hbm>>) target(%arg10 : memref<64x512xf32, #tpu.memory_space<vmem>>) offsets(%dma_start3A_5 : memref<64xi32, #tpu.memory_space<vmem>>) semaphore(%arg12 : memref<!tpu.dma_semaphore, #tpu.memory_space<semaphore_mem>>)
    %dma_wait3A = arith.constant 0 : i32
    %dma_wait3A_9 = arith.constant 0 : i32
    %dma_wait3A_10 = tpu.memref_slice %arg8[%dma_wait3A, %dma_wait3A_9] : memref<8x64xi32, #tpu.memory_space<vmem>> -> memref<1x64xi32, #tpu.memory_space<vmem>>
    %dma_wait3A_11 = tpu.memref_squeeze %dma_wait3A_10 : memref<1x64xi32, #tpu.memory_space<vmem>> -> memref<64xi32, #tpu.memory_space<vmem>>
    %dma_wait3A_12 = arith.constant 0 : i32
    %dma_wait3A_13 = arith.constant 0 : i32
    %dma_wait3A_14 = tpu.memref_slice %arg2[%dma_wait3A_12, %dma_wait3A_13] : memref<50000x512xf32, #tpu.memory_space<hbm>> -> memref<50000x512xf32, #tpu.memory_space<hbm>>
    tpu.wait_indirect_dma semaphore(%arg12 : memref<!tpu.dma_semaphore, #tpu.memory_space<semaphore_mem>>) src(%dma_wait3A_14 : memref<50000x512xf32, #tpu.memory_space<hbm>>) dst(%arg10 : memref<64x512xf32, #tpu.memory_space<vmem>>)
    %dma_start3A_15 = arith.constant 1 : i32
    %dma_start3A_16 = arith.constant 0 : i32
    %dma_start3A_17 = tpu.memref_slice %arg8[%dma_start3A_15, %dma_start3A_16] : memref<8x64xi32, #tpu.memory_space<vmem>> -> memref<1x64xi32, #tpu.memory_space<vmem>>
    %dma_start3A_18 = tpu.memref_squeeze %dma_start3A_17 : memref<1x64xi32, #tpu.memory_space<vmem>> -> memref<64xi32, #tpu.memory_space<vmem>>
    %dma_start3A_19 = arith.constant 0 : i32
    %dma_start3A_20 = arith.constant 0 : i32
    %dma_start3A_21 = tpu.memref_slice %arg2[%dma_start3A_19, %dma_start3A_20] : memref<50000x512xf32, #tpu.memory_space<hbm>> -> memref<50000x512xf32, #tpu.memory_space<hbm>>
    tpu.enqueue_indirect_dma source(%dma_start3A_21 : memref<50000x512xf32, #tpu.memory_space<hbm>>) target(%arg11 : memref<64x512xf32, #tpu.memory_space<vmem>>) offsets(%dma_start3A_18 : memref<64xi32, #tpu.memory_space<vmem>>) semaphore(%arg13 : memref<!tpu.dma_semaphore, #tpu.memory_space<semaphore_mem>>)
    %add3A_22 = arith.constant 0 : i32
    %add3A_23 = arith.addi %mul3A_2, %add3A_22 : i32
    "tpu.region"() ({
      %run_scoped3A = tpu.sem_alloc : memref<!tpu.dma_semaphore, #tpu.memory_space<semaphore_mem>>
      %dma_start3A_257 = arith.constant 0 : i32
      %dma_start3A_258 = tpu.memref_slice %arg6[%add3A_23, %dma_start3A_257] : memref<16384x512xf32, #tpu.memory_space<hbm>> -> memref<64x512xf32, #tpu.memory_space<hbm>>
      %dma_start3A_259 = arith.constant 0 : i32
      %dma_start3A_260 = tpu.memref_slice %arg6[%add3A_23, %dma_start3A_259] : memref<16384x512xf32, #tpu.memory_space<hbm>> -> memref<64x512xf32, #tpu.memory_space<hbm>>
      tpu.enqueue_dma source(%arg10 : memref<64x512xf32, #tpu.memory_space<vmem>>) target(%dma_start3A_260 : memref<64x512xf32, #tpu.memory_space<hbm>>) target_semaphore(%run_scoped3A : memref<!tpu.dma_semaphore, #tpu.memory_space<semaphore_mem>>)
      %dma_wait3A_261 = arith.constant 0 : i32
      %dma_wait3A_262 = tpu.memref_slice %arg6[%add3A_23, %dma_wait3A_261] : memref<16384x512xf32, #tpu.memory_space<hbm>> -> memref<64x512xf32, #tpu.memory_space<hbm>>
      %dma_wait3A_263 = arith.constant 0 : i32
      %dma_wait3A_264 = tpu.memref_slice %arg6[%add3A_23, %dma_wait3A_263] : memref<16384x512xf32, #tpu.memory_space<hbm>> -> memref<64x512xf32, #tpu.memory_space<hbm>>
      tpu.wait_dma2 semaphore(%run_scoped3A : memref<!tpu.dma_semaphore, #tpu.memory_space<semaphore_mem>>) src(%arg10 : memref<64x512xf32, #tpu.memory_space<vmem>>) dst(%dma_wait3A_264 : memref<64x512xf32, #tpu.memory_space<hbm>>)
      tpu.yield
    }) : () -> ()
    %dma_wait3A_24 = arith.constant 1 : i32
    %dma_wait3A_25 = arith.constant 0 : i32
    %dma_wait3A_26 = tpu.memref_slice %arg8[%dma_wait3A_24, %dma_wait3A_25] : memref<8x64xi32, #tpu.memory_space<vmem>> -> memref<1x64xi32, #tpu.memory_space<vmem>>
    %dma_wait3A_27 = tpu.memref_squeeze %dma_wait3A_26 : memref<1x64xi32, #tpu.memory_space<vmem>> -> memref<64xi32, #tpu.memory_space<vmem>>
    %dma_wait3A_28 = arith.constant 0 : i32
    %dma_wait3A_29 = arith.constant 0 : i32
    %dma_wait3A_30 = tpu.memref_slice %arg2[%dma_wait3A_28, %dma_wait3A_29] : memref<50000x512xf32, #tpu.memory_space<hbm>> -> memref<50000x512xf32, #tpu.memory_space<hbm>>
    tpu.wait_indirect_dma semaphore(%arg13 : memref<!tpu.dma_semaphore, #tpu.memory_space<semaphore_mem>>) src(%dma_wait3A_30 : memref<50000x512xf32, #tpu.memory_space<hbm>>) dst(%arg11 : memref<64x512xf32, #tpu.memory_space<vmem>>)
    %dma_start3A_31 = arith.constant 2 : i32
    %dma_start3A_32 = arith.constant 0 : i32
    %dma_start3A_33 = tpu.memref_slice %arg8[%dma_start3A_31, %dma_start3A_32] : memref<8x64xi32, #tpu.memory_space<vmem>> -> memref<1x64xi32, #tpu.memory_space<vmem>>
    %dma_start3A_34 = tpu.memref_squeeze %dma_start3A_33 : memref<1x64xi32, #tpu.memory_space<vmem>> -> memref<64xi32, #tpu.memory_space<vmem>>
    %dma_start3A_35 = arith.constant 0 : i32
    %dma_start3A_36 = arith.constant 0 : i32
    %dma_start3A_37 = tpu.memref_slice %arg2[%dma_start3A_35, %dma_start3A_36] : memref<50000x512xf32, #tpu.memory_space<hbm>> -> memref<50000x512xf32, #tpu.memory_space<hbm>>
    tpu.enqueue_indirect_dma source(%dma_start3A_37 : memref<50000x512xf32, #tpu.memory_space<hbm>>) target(%arg10 : memref<64x512xf32, #tpu.memory_space<vmem>>) offsets(%dma_start3A_34 : memref<64xi32, #tpu.memory_space<vmem>>) semaphore(%arg12 : memref<!tpu.dma_semaphore, #tpu.memory_space<semaphore_mem>>)
    %add3A_38 = arith.constant 64 : i32
    %add3A_39 = arith.addi %mul3A_2, %add3A_38 : i32
    "tpu.region"() ({
      %run_scoped3A = tpu.sem_alloc : memref<!tpu.dma_semaphore, #tpu.memory_space<semaphore_mem>>
      %dma_start3A_257 = arith.constant 0 : i32
      %dma_start3A_258 = tpu.memref_slice %arg6[%add3A_39, %dma_start3A_257] : memref<16384x512xf32, #tpu.memory_space<hbm>> -> memref<64x512xf32, #tpu.memory_space<hbm>>
      %dma_start3A_259 = arith.constant 0 : i32
      %dma_start3A_260 = tpu.memref_slice %arg6[%add3A_39, %dma_start3A_259] : memref<16384x512xf32, #tpu.memory_space<hbm>> -> memref<64x512xf32, #tpu.memory_space<hbm>>
      tpu.enqueue_dma source(%arg11 : memref<64x512xf32, #tpu.memory_space<vmem>>) target(%dma_start3A_260 : memref<64x512xf32, #tpu.memory_space<hbm>>) target_semaphore(%run_scoped3A : memref<!tpu.dma_semaphore, #tpu.memory_space<semaphore_mem>>)
      %dma_wait3A_261 = arith.constant 0 : i32
      %dma_wait3A_262 = tpu.memref_slice %arg6[%add3A_39, %dma_wait3A_261] : memref<16384x512xf32, #tpu.memory_space<hbm>> -> memref<64x512xf32, #tpu.memory_space<hbm>>
      %dma_wait3A_263 = arith.constant 0 : i32
      %dma_wait3A_264 = tpu.memref_slice %arg6[%add3A_39, %dma_wait3A_263] : memref<16384x512xf32, #tpu.memory_space<hbm>> -> memref<64x512xf32, #tpu.memory_space<hbm>>
      tpu.wait_dma2 semaphore(%run_scoped3A : memref<!tpu.dma_semaphore, #tpu.memory_space<semaphore_mem>>) src(%arg11 : memref<64x512xf32, #tpu.memory_space<vmem>>) dst(%dma_wait3A_264 : memref<64x512xf32, #tpu.memory_space<hbm>>)
      tpu.yield
    }) : () -> ()
    %dma_wait3A_40 = arith.constant 2 : i32
    %dma_wait3A_41 = arith.constant 0 : i32
    %dma_wait3A_42 = tpu.memref_slice %arg8[%dma_wait3A_40, %dma_wait3A_41] : memref<8x64xi32, #tpu.memory_space<vmem>> -> memref<1x64xi32, #tpu.memory_space<vmem>>
    %dma_wait3A_43 = tpu.memref_squeeze %dma_wait3A_42 : memref<1x64xi32, #tpu.memory_space<vmem>> -> memref<64xi32, #tpu.memory_space<vmem>>
    %dma_wait3A_44 = arith.constant 0 : i32
    %dma_wait3A_45 = arith.constant 0 : i32
    %dma_wait3A_46 = tpu.memref_slice %arg2[%dma_wait3A_44, %dma_wait3A_45] : memref<50000x512xf32, #tpu.memory_space<hbm>> -> memref<50000x512xf32, #tpu.memory_space<hbm>>
    tpu.wait_indirect_dma semaphore(%arg12 : memref<!tpu.dma_semaphore, #tpu.memory_space<semaphore_mem>>) src(%dma_wait3A_46 : memref<50000x512xf32, #tpu.memory_space<hbm>>) dst(%arg10 : memref<64x512xf32, #tpu.memory_space<vmem>>)
    %dma_start3A_47 = arith.constant 3 : i32
    %dma_start3A_48 = arith.constant 0 : i32
    %dma_start3A_49 = tpu.memref_slice %arg8[%dma_start3A_47, %dma_start3A_48] : memref<8x64xi32, #tpu.memory_space<vmem>> -> memref<1x64xi32, #tpu.memory_space<vmem>>
    %dma_start3A_50 = tpu.memref_squeeze %dma_start3A_49 : memref<1x64xi32, #tpu.memory_space<vmem>> -> memref<64xi32, #tpu.memory_space<vmem>>
    %dma_start3A_51 = arith.constant 0 : i32
    %dma_start3A_52 = arith.constant 0 : i32
    %dma_start3A_53 = tpu.memref_slice %arg2[%dma_start3A_51, %dma_start3A_52] : memref<50000x512xf32, #tpu.memory_space<hbm>> -> memref<50000x512xf32, #tpu.memory_space<hbm>>
    tpu.enqueue_indirect_dma source(%dma_start3A_53 : memref<50000x512xf32, #tpu.memory_space<hbm>>) target(%arg11 : memref<64x512xf32, #tpu.memory_space<vmem>>) offsets(%dma_start3A_50 : memref<64xi32, #tpu.memory_space<vmem>>) semaphore(%arg13 : memref<!tpu.dma_semaphore, #tpu.memory_space<semaphore_mem>>)
    %add3A_54 = arith.constant 128 : i32
    %add3A_55 = arith.addi %mul3A_2, %add3A_54 : i32
    "tpu.region"() ({
      %run_scoped3A = tpu.sem_alloc : memref<!tpu.dma_semaphore, #tpu.memory_space<semaphore_mem>>
      %dma_start3A_257 = arith.constant 0 : i32
      %dma_start3A_258 = tpu.memref_slice %arg6[%add3A_55, %dma_start3A_257] : memref<16384x512xf32, #tpu.memory_space<hbm>> -> memref<64x512xf32, #tpu.memory_space<hbm>>
      %dma_start3A_259 = arith.constant 0 : i32
      %dma_start3A_260 = tpu.memref_slice %arg6[%add3A_55, %dma_start3A_259] : memref<16384x512xf32, #tpu.memory_space<hbm>> -> memref<64x512xf32, #tpu.memory_space<hbm>>
      tpu.enqueue_dma source(%arg10 : memref<64x512xf32, #tpu.memory_space<vmem>>) target(%dma_start3A_260 : memref<64x512xf32, #tpu.memory_space<hbm>>) target_semaphore(%run_scoped3A : memref<!tpu.dma_semaphore, #tpu.memory_space<semaphore_mem>>)
      %dma_wait3A_261 = arith.constant 0 : i32
      %dma_wait3A_262 = tpu.memref_slice %arg6[%add3A_55, %dma_wait3A_261] : memref<16384x512xf32, #tpu.memory_space<hbm>> -> memref<64x512xf32, #tpu.memory_space<hbm>>
      %dma_wait3A_263 = arith.constant 0 : i32
      %dma_wait3A_264 = tpu.memref_slice %arg6[%add3A_55, %dma_wait3A_263] : memref<16384x512xf32, #tpu.memory_space<hbm>> -> memref<64x512xf32, #tpu.memory_space<hbm>>
      tpu.wait_dma2 semaphore(%run_scoped3A : memref<!tpu.dma_semaphore, #tpu.memory_space<semaphore_mem>>) src(%arg10 : memref<64x512xf32, #tpu.memory_space<vmem>>) dst(%dma_wait3A_264 : memref<64x512xf32, #tpu.memory_space<hbm>>)
      tpu.yield
    }) : () -> ()
    %dma_wait3A_56 = arith.constant 3 : i32
    %dma_wait3A_57 = arith.constant 0 : i32
    %dma_wait3A_58 = tpu.memref_slice %arg8[%dma_wait3A_56, %dma_wait3A_57] : memref<8x64xi32, #tpu.memory_space<vmem>> -> memref<1x64xi32, #tpu.memory_space<vmem>>
    %dma_wait3A_59 = tpu.memref_squeeze %dma_wait3A_58 : memref<1x64xi32, #tpu.memory_space<vmem>> -> memref<64xi32, #tpu.memory_space<vmem>>
    %dma_wait3A_60 = arith.constant 0 : i32
    %dma_wait3A_61 = arith.constant 0 : i32
    %dma_wait3A_62 = tpu.memref_slice %arg2[%dma_wait3A_60, %dma_wait3A_61] : memref<50000x512xf32, #tpu.memory_space<hbm>> -> memref<50000x512xf32, #tpu.memory_space<hbm>>
    tpu.wait_indirect_dma semaphore(%arg13 : memref<!tpu.dma_semaphore, #tpu.memory_space<semaphore_mem>>) src(%dma_wait3A_62 : memref<50000x512xf32, #tpu.memory_space<hbm>>) dst(%arg11 : memref<64x512xf32, #tpu.memory_space<vmem>>)
    %dma_start3A_63 = arith.constant 4 : i32
    %dma_start3A_64 = arith.constant 0 : i32
    %dma_start3A_65 = tpu.memref_slice %arg8[%dma_start3A_63, %dma_start3A_64] : memref<8x64xi32, #tpu.memory_space<vmem>> -> memref<1x64xi32, #tpu.memory_space<vmem>>
    %dma_start3A_66 = tpu.memref_squeeze %dma_start3A_65 : memref<1x64xi32, #tpu.memory_space<vmem>> -> memref<64xi32, #tpu.memory_space<vmem>>
    %dma_start3A_67 = arith.constant 0 : i32
    %dma_start3A_68 = arith.constant 0 : i32
    %dma_start3A_69 = tpu.memref_slice %arg2[%dma_start3A_67, %dma_start3A_68] : memref<50000x512xf32, #tpu.memory_space<hbm>> -> memref<50000x512xf32, #tpu.memory_space<hbm>>
    tpu.enqueue_indirect_dma source(%dma_start3A_69 : memref<50000x512xf32, #tpu.memory_space<hbm>>) target(%arg10 : memref<64x512xf32, #tpu.memory_space<vmem>>) offsets(%dma_start3A_66 : memref<64xi32, #tpu.memory_space<vmem>>) semaphore(%arg12 : memref<!tpu.dma_semaphore, #tpu.memory_space<semaphore_mem>>)
    %add3A_70 = arith.constant 192 : i32
    %add3A_71 = arith.addi %mul3A_2, %add3A_70 : i32
    "tpu.region"() ({
      %run_scoped3A = tpu.sem_alloc : memref<!tpu.dma_semaphore, #tpu.memory_space<semaphore_mem>>
      %dma_start3A_257 = arith.constant 0 : i32
      %dma_start3A_258 = tpu.memref_slice %arg6[%add3A_71, %dma_start3A_257] : memref<16384x512xf32, #tpu.memory_space<hbm>> -> memref<64x512xf32, #tpu.memory_space<hbm>>
      %dma_start3A_259 = arith.constant 0 : i32
      %dma_start3A_260 = tpu.memref_slice %arg6[%add3A_71, %dma_start3A_259] : memref<16384x512xf32, #tpu.memory_space<hbm>> -> memref<64x512xf32, #tpu.memory_space<hbm>>
      tpu.enqueue_dma source(%arg11 : memref<64x512xf32, #tpu.memory_space<vmem>>) target(%dma_start3A_260 : memref<64x512xf32, #tpu.memory_space<hbm>>) target_semaphore(%run_scoped3A : memref<!tpu.dma_semaphore, #tpu.memory_space<semaphore_mem>>)
      %dma_wait3A_261 = arith.constant 0 : i32
      %dma_wait3A_262 = tpu.memref_slice %arg6[%add3A_71, %dma_wait3A_261] : memref<16384x512xf32, #tpu.memory_space<hbm>> -> memref<64x512xf32, #tpu.memory_space<hbm>>
      %dma_wait3A_263 = arith.constant 0 : i32
      %dma_wait3A_264 = tpu.memref_slice %arg6[%add3A_71, %dma_wait3A_263] : memref<16384x512xf32, #tpu.memory_space<hbm>> -> memref<64x512xf32, #tpu.memory_space<hbm>>
      tpu.wait_dma2 semaphore(%run_scoped3A : memref<!tpu.dma_semaphore, #tpu.memory_space<semaphore_mem>>) src(%arg11 : memref<64x512xf32, #tpu.memory_space<vmem>>) dst(%dma_wait3A_264 : memref<64x512xf32, #tpu.memory_space<hbm>>)
      tpu.yield
    }) : () -> ()
    %dma_wait3A_72 = arith.constant 4 : i32
    %dma_wait3A_73 = arith.constant 0 : i32
    %dma_wait3A_74 = tpu.memref_slice %arg8[%dma_wait3A_72, %dma_wait3A_73] : memref<8x64xi32, #tpu.memory_space<vmem>> -> memref<1x64xi32, #tpu.memory_space<vmem>>
    %dma_wait3A_75 = tpu.memref_squeeze %dma_wait3A_74 : memref<1x64xi32, #tpu.memory_space<vmem>> -> memref<64xi32, #tpu.memory_space<vmem>>
    %dma_wait3A_76 = arith.constant 0 : i32
    %dma_wait3A_77 = arith.constant 0 : i32
    %dma_wait3A_78 = tpu.memref_slice %arg2[%dma_wait3A_76, %dma_wait3A_77] : memref<50000x512xf32, #tpu.memory_space<hbm>> -> memref<50000x512xf32, #tpu.memory_space<hbm>>
    tpu.wait_indirect_dma semaphore(%arg12 : memref<!tpu.dma_semaphore, #tpu.memory_space<semaphore_mem>>) src(%dma_wait3A_78 : memref<50000x512xf32, #tpu.memory_space<hbm>>) dst(%arg10 : memref<64x512xf32, #tpu.memory_space<vmem>>)
    %dma_start3A_79 = arith.constant 5 : i32
    %dma_start3A_80 = arith.constant 0 : i32
    %dma_start3A_81 = tpu.memref_slice %arg8[%dma_start3A_79, %dma_start3A_80] : memref<8x64xi32, #tpu.memory_space<vmem>> -> memref<1x64xi32, #tpu.memory_space<vmem>>
    %dma_start3A_82 = tpu.memref_squeeze %dma_start3A_81 : memref<1x64xi32, #tpu.memory_space<vmem>> -> memref<64xi32, #tpu.memory_space<vmem>>
    %dma_start3A_83 = arith.constant 0 : i32
    %dma_start3A_84 = arith.constant 0 : i32
    %dma_start3A_85 = tpu.memref_slice %arg2[%dma_start3A_83, %dma_start3A_84] : memref<50000x512xf32, #tpu.memory_space<hbm>> -> memref<50000x512xf32, #tpu.memory_space<hbm>>
    tpu.enqueue_indirect_dma source(%dma_start3A_85 : memref<50000x512xf32, #tpu.memory_space<hbm>>) target(%arg11 : memref<64x512xf32, #tpu.memory_space<vmem>>) offsets(%dma_start3A_82 : memref<64xi32, #tpu.memory_space<vmem>>) semaphore(%arg13 : memref<!tpu.dma_semaphore, #tpu.memory_space<semaphore_mem>>)
    %add3A_86 = arith.constant 256 : i32
    %add3A_87 = arith.addi %mul3A_2, %add3A_86 : i32
    "tpu.region"() ({
      %run_scoped3A = tpu.sem_alloc : memref<!tpu.dma_semaphore, #tpu.memory_space<semaphore_mem>>
      %dma_start3A_257 = arith.constant 0 : i32
      %dma_start3A_258 = tpu.memref_slice %arg6[%add3A_87, %dma_start3A_257] : memref<16384x512xf32, #tpu.memory_space<hbm>> -> memref<64x512xf32, #tpu.memory_space<hbm>>
      %dma_start3A_259 = arith.constant 0 : i32
      %dma_start3A_260 = tpu.memref_slice %arg6[%add3A_87, %dma_start3A_259] : memref<16384x512xf32, #tpu.memory_space<hbm>> -> memref<64x512xf32, #tpu.memory_space<hbm>>
      tpu.enqueue_dma source(%arg10 : memref<64x512xf32, #tpu.memory_space<vmem>>) target(%dma_start3A_260 : memref<64x512xf32, #tpu.memory_space<hbm>>) target_semaphore(%run_scoped3A : memref<!tpu.dma_semaphore, #tpu.memory_space<semaphore_mem>>)
      %dma_wait3A_261 = arith.constant 0 : i32
      %dma_wait3A_262 = tpu.memref_slice %arg6[%add3A_87, %dma_wait3A_261] : memref<16384x512xf32, #tpu.memory_space<hbm>> -> memref<64x512xf32, #tpu.memory_space<hbm>>
      %dma_wait3A_263 = arith.constant 0 : i32
      %dma_wait3A_264 = tpu.memref_slice %arg6[%add3A_87, %dma_wait3A_263] : memref<16384x512xf32, #tpu.memory_space<hbm>> -> memref<64x512xf32, #tpu.memory_space<hbm>>
      tpu.wait_dma2 semaphore(%run_scoped3A : memref<!tpu.dma_semaphore, #tpu.memory_space<semaphore_mem>>) src(%arg10 : memref<64x512xf32, #tpu.memory_space<vmem>>) dst(%dma_wait3A_264 : memref<64x512xf32, #tpu.memory_space<hbm>>)
      tpu.yield
    }) : () -> ()
    %dma_wait3A_88 = arith.constant 5 : i32
    %dma_wait3A_89 = arith.constant 0 : i32
    %dma_wait3A_90 = tpu.memref_slice %arg8[%dma_wait3A_88, %dma_wait3A_89] : memref<8x64xi32, #tpu.memory_space<vmem>> -> memref<1x64xi32, #tpu.memory_space<vmem>>
    %dma_wait3A_91 = tpu.memref_squeeze %dma_wait3A_90 : memref<1x64xi32, #tpu.memory_space<vmem>> -> memref<64xi32, #tpu.memory_space<vmem>>
    %dma_wait3A_92 = arith.constant 0 : i32
    %dma_wait3A_93 = arith.constant 0 : i32
    %dma_wait3A_94 = tpu.memref_slice %arg2[%dma_wait3A_92, %dma_wait3A_93] : memref<50000x512xf32, #tpu.memory_space<hbm>> -> memref<50000x512xf32, #tpu.memory_space<hbm>>
    tpu.wait_indirect_dma semaphore(%arg13 : memref<!tpu.dma_semaphore, #tpu.memory_space<semaphore_mem>>) src(%dma_wait3A_94 : memref<50000x512xf32, #tpu.memory_space<hbm>>) dst(%arg11 : memref<64x512xf32, #tpu.memory_space<vmem>>)
    %dma_start3A_95 = arith.constant 6 : i32
    %dma_start3A_96 = arith.constant 0 : i32
    %dma_start3A_97 = tpu.memref_slice %arg8[%dma_start3A_95, %dma_start3A_96] : memref<8x64xi32, #tpu.memory_space<vmem>> -> memref<1x64xi32, #tpu.memory_space<vmem>>
    %dma_start3A_98 = tpu.memref_squeeze %dma_start3A_97 : memref<1x64xi32, #tpu.memory_space<vmem>> -> memref<64xi32, #tpu.memory_space<vmem>>
    %dma_start3A_99 = arith.constant 0 : i32
    %dma_start3A_100 = arith.constant 0 : i32
    %dma_start3A_101 = tpu.memref_slice %arg2[%dma_start3A_99, %dma_start3A_100] : memref<50000x512xf32, #tpu.memory_space<hbm>> -> memref<50000x512xf32, #tpu.memory_space<hbm>>
    tpu.enqueue_indirect_dma source(%dma_start3A_101 : memref<50000x512xf32, #tpu.memory_space<hbm>>) target(%arg10 : memref<64x512xf32, #tpu.memory_space<vmem>>) offsets(%dma_start3A_98 : memref<64xi32, #tpu.memory_space<vmem>>) semaphore(%arg12 : memref<!tpu.dma_semaphore, #tpu.memory_space<semaphore_mem>>)
    %add3A_102 = arith.constant 320 : i32
    %add3A_103 = arith.addi %mul3A_2, %add3A_102 : i32
    "tpu.region"() ({
      %run_scoped3A = tpu.sem_alloc : memref<!tpu.dma_semaphore, #tpu.memory_space<semaphore_mem>>
      %dma_start3A_257 = arith.constant 0 : i32
      %dma_start3A_258 = tpu.memref_slice %arg6[%add3A_103, %dma_start3A_257] : memref<16384x512xf32, #tpu.memory_space<hbm>> -> memref<64x512xf32, #tpu.memory_space<hbm>>
      %dma_start3A_259 = arith.constant 0 : i32
      %dma_start3A_260 = tpu.memref_slice %arg6[%add3A_103, %dma_start3A_259] : memref<16384x512xf32, #tpu.memory_space<hbm>> -> memref<64x512xf32, #tpu.memory_space<hbm>>
      tpu.enqueue_dma source(%arg11 : memref<64x512xf32, #tpu.memory_space<vmem>>) target(%dma_start3A_260 : memref<64x512xf32, #tpu.memory_space<hbm>>) target_semaphore(%run_scoped3A : memref<!tpu.dma_semaphore, #tpu.memory_space<semaphore_mem>>)
      %dma_wait3A_261 = arith.constant 0 : i32
      %dma_wait3A_262 = tpu.memref_slice %arg6[%add3A_103, %dma_wait3A_261] : memref<16384x512xf32, #tpu.memory_space<hbm>> -> memref<64x512xf32, #tpu.memory_space<hbm>>
      %dma_wait3A_263 = arith.constant 0 : i32
      %dma_wait3A_264 = tpu.memref_slice %arg6[%add3A_103, %dma_wait3A_263] : memref<16384x512xf32, #tpu.memory_space<hbm>> -> memref<64x512xf32, #tpu.memory_space<hbm>>
      tpu.wait_dma2 semaphore(%run_scoped3A : memref<!tpu.dma_semaphore, #tpu.memory_space<semaphore_mem>>) src(%arg11 : memref<64x512xf32, #tpu.memory_space<vmem>>) dst(%dma_wait3A_264 : memref<64x512xf32, #tpu.memory_space<hbm>>)
      tpu.yield
    }) : () -> ()
    %dma_wait3A_104 = arith.constant 6 : i32
    %dma_wait3A_105 = arith.constant 0 : i32
    %dma_wait3A_106 = tpu.memref_slice %arg8[%dma_wait3A_104, %dma_wait3A_105] : memref<8x64xi32, #tpu.memory_space<vmem>> -> memref<1x64xi32, #tpu.memory_space<vmem>>
    %dma_wait3A_107 = tpu.memref_squeeze %dma_wait3A_106 : memref<1x64xi32, #tpu.memory_space<vmem>> -> memref<64xi32, #tpu.memory_space<vmem>>
    %dma_wait3A_108 = arith.constant 0 : i32
    %dma_wait3A_109 = arith.constant 0 : i32
    %dma_wait3A_110 = tpu.memref_slice %arg2[%dma_wait3A_108, %dma_wait3A_109] : memref<50000x512xf32, #tpu.memory_space<hbm>> -> memref<50000x512xf32, #tpu.memory_space<hbm>>
    tpu.wait_indirect_dma semaphore(%arg12 : memref<!tpu.dma_semaphore, #tpu.memory_space<semaphore_mem>>) src(%dma_wait3A_110 : memref<50000x512xf32, #tpu.memory_space<hbm>>) dst(%arg10 : memref<64x512xf32, #tpu.memory_space<vmem>>)
    %dma_start3A_111 = arith.constant 7 : i32
    %dma_start3A_112 = arith.constant 0 : i32
    %dma_start3A_113 = tpu.memref_slice %arg8[%dma_start3A_111, %dma_start3A_112] : memref<8x64xi32, #tpu.memory_space<vmem>> -> memref<1x64xi32, #tpu.memory_space<vmem>>
    %dma_start3A_114 = tpu.memref_squeeze %dma_start3A_113 : memref<1x64xi32, #tpu.memory_space<vmem>> -> memref<64xi32, #tpu.memory_space<vmem>>
    %dma_start3A_115 = arith.constant 0 : i32
    %dma_start3A_116 = arith.constant 0 : i32
    %dma_start3A_117 = tpu.memref_slice %arg2[%dma_start3A_115, %dma_start3A_116] : memref<50000x512xf32, #tpu.memory_space<hbm>> -> memref<50000x512xf32, #tpu.memory_space<hbm>>
    tpu.enqueue_indirect_dma source(%dma_start3A_117 : memref<50000x512xf32, #tpu.memory_space<hbm>>) target(%arg11 : memref<64x512xf32, #tpu.memory_space<vmem>>) offsets(%dma_start3A_114 : memref<64xi32, #tpu.memory_space<vmem>>) semaphore(%arg13 : memref<!tpu.dma_semaphore, #tpu.memory_space<semaphore_mem>>)
    %add3A_118 = arith.constant 384 : i32
    %add3A_119 = arith.addi %mul3A_2, %add3A_118 : i32
    "tpu.region"() ({
      %run_scoped3A = tpu.sem_alloc : memref<!tpu.dma_semaphore, #tpu.memory_space<semaphore_mem>>
      %dma_start3A_257 = arith.constant 0 : i32
      %dma_start3A_258 = tpu.memref_slice %arg6[%add3A_119, %dma_start3A_257] : memref<16384x512xf32, #tpu.memory_space<hbm>> -> memref<64x512xf32, #tpu.memory_space<hbm>>
      %dma_start3A_259 = arith.constant 0 : i32
      %dma_start3A_260 = tpu.memref_slice %arg6[%add3A_119, %dma_start3A_259] : memref<16384x512xf32, #tpu.memory_space<hbm>> -> memref<64x512xf32, #tpu.memory_space<hbm>>
      tpu.enqueue_dma source(%arg10 : memref<64x512xf32, #tpu.memory_space<vmem>>) target(%dma_start3A_260 : memref<64x512xf32, #tpu.memory_space<hbm>>) target_semaphore(%run_scoped3A : memref<!tpu.dma_semaphore, #tpu.memory_space<semaphore_mem>>)
      %dma_wait3A_261 = arith.constant 0 : i32
      %dma_wait3A_262 = tpu.memref_slice %arg6[%add3A_119, %dma_wait3A_261] : memref<16384x512xf32, #tpu.memory_space<hbm>> -> memref<64x512xf32, #tpu.memory_space<hbm>>
      %dma_wait3A_263 = arith.constant 0 : i32
      %dma_wait3A_264 = tpu.memref_slice %arg6[%add3A_119, %dma_wait3A_263] : memref<16384x512xf32, #tpu.memory_space<hbm>> -> memref<64x512xf32, #tpu.memory_space<hbm>>
      tpu.wait_dma2 semaphore(%run_scoped3A : memref<!tpu.dma_semaphore, #tpu.memory_space<semaphore_mem>>) src(%arg10 : memref<64x512xf32, #tpu.memory_space<vmem>>) dst(%dma_wait3A_264 : memref<64x512xf32, #tpu.memory_space<hbm>>)
      tpu.yield
    }) : () -> ()
    %dma_wait3A_120 = arith.constant 7 : i32
    %dma_wait3A_121 = arith.constant 0 : i32
    %dma_wait3A_122 = tpu.memref_slice %arg8[%dma_wait3A_120, %dma_wait3A_121] : memref<8x64xi32, #tpu.memory_space<vmem>> -> memref<1x64xi32, #tpu.memory_space<vmem>>
    %dma_wait3A_123 = tpu.memref_squeeze %dma_wait3A_122 : memref<1x64xi32, #tpu.memory_space<vmem>> -> memref<64xi32, #tpu.memory_space<vmem>>
    %dma_wait3A_124 = arith.constant 0 : i32
    %dma_wait3A_125 = arith.constant 0 : i32
    %dma_wait3A_126 = tpu.memref_slice %arg2[%dma_wait3A_124, %dma_wait3A_125] : memref<50000x512xf32, #tpu.memory_space<hbm>> -> memref<50000x512xf32, #tpu.memory_space<hbm>>
    tpu.wait_indirect_dma semaphore(%arg13 : memref<!tpu.dma_semaphore, #tpu.memory_space<semaphore_mem>>) src(%dma_wait3A_126 : memref<50000x512xf32, #tpu.memory_space<hbm>>) dst(%arg11 : memref<64x512xf32, #tpu.memory_space<vmem>>)
    %add3A_127 = arith.constant 448 : i32
    %add3A_128 = arith.addi %mul3A_2, %add3A_127 : i32
    "tpu.region"() ({
      %run_scoped3A = tpu.sem_alloc : memref<!tpu.dma_semaphore, #tpu.memory_space<semaphore_mem>>
      %dma_start3A_257 = arith.constant 0 : i32
      %dma_start3A_258 = tpu.memref_slice %arg6[%add3A_128, %dma_start3A_257] : memref<16384x512xf32, #tpu.memory_space<hbm>> -> memref<64x512xf32, #tpu.memory_space<hbm>>
      %dma_start3A_259 = arith.constant 0 : i32
      %dma_start3A_260 = tpu.memref_slice %arg6[%add3A_128, %dma_start3A_259] : memref<16384x512xf32, #tpu.memory_space<hbm>> -> memref<64x512xf32, #tpu.memory_space<hbm>>
      tpu.enqueue_dma source(%arg11 : memref<64x512xf32, #tpu.memory_space<vmem>>) target(%dma_start3A_260 : memref<64x512xf32, #tpu.memory_space<hbm>>) target_semaphore(%run_scoped3A : memref<!tpu.dma_semaphore, #tpu.memory_space<semaphore_mem>>)
      %dma_wait3A_261 = arith.constant 0 : i32
      %dma_wait3A_262 = tpu.memref_slice %arg6[%add3A_128, %dma_wait3A_261] : memref<16384x512xf32, #tpu.memory_space<hbm>> -> memref<64x512xf32, #tpu.memory_space<hbm>>
      %dma_wait3A_263 = arith.constant 0 : i32
      %dma_wait3A_264 = tpu.memref_slice %arg6[%add3A_128, %dma_wait3A_263] : memref<16384x512xf32, #tpu.memory_space<hbm>> -> memref<64x512xf32, #tpu.memory_space<hbm>>
      tpu.wait_dma2 semaphore(%run_scoped3A : memref<!tpu.dma_semaphore, #tpu.memory_space<semaphore_mem>>) src(%arg11 : memref<64x512xf32, #tpu.memory_space<vmem>>) dst(%dma_wait3A_264 : memref<64x512xf32, #tpu.memory_space<hbm>>)
      tpu.yield
    }) : () -> ()
    %dma_start3A_129 = arith.constant 0 : i32
    %dma_start3A_130 = arith.constant 0 : i32
    %dma_start3A_131 = tpu.memref_slice %arg9[%dma_start3A_129, %dma_start3A_130] : memref<8x64xi32, #tpu.memory_space<vmem>> -> memref<1x64xi32, #tpu.memory_space<vmem>>
    %dma_start3A_132 = tpu.memref_squeeze %dma_start3A_131 : memref<1x64xi32, #tpu.memory_space<vmem>> -> memref<64xi32, #tpu.memory_space<vmem>>
    %dma_start3A_133 = arith.constant 0 : i32
    %dma_start3A_134 = arith.constant 0 : i32
    %dma_start3A_135 = tpu.memref_slice %arg3[%dma_start3A_133, %dma_start3A_134] : memref<50000x512xf32, #tpu.memory_space<hbm>> -> memref<50000x512xf32, #tpu.memory_space<hbm>>
    tpu.enqueue_indirect_dma source(%dma_start3A_135 : memref<50000x512xf32, #tpu.memory_space<hbm>>) target(%arg10 : memref<64x512xf32, #tpu.memory_space<vmem>>) offsets(%dma_start3A_132 : memref<64xi32, #tpu.memory_space<vmem>>) semaphore(%arg12 : memref<!tpu.dma_semaphore, #tpu.memory_space<semaphore_mem>>)
    %dma_wait3A_136 = arith.constant 0 : i32
    %dma_wait3A_137 = arith.constant 0 : i32
    %dma_wait3A_138 = tpu.memref_slice %arg9[%dma_wait3A_136, %dma_wait3A_137] : memref<8x64xi32, #tpu.memory_space<vmem>> -> memref<1x64xi32, #tpu.memory_space<vmem>>
    %dma_wait3A_139 = tpu.memref_squeeze %dma_wait3A_138 : memref<1x64xi32, #tpu.memory_space<vmem>> -> memref<64xi32, #tpu.memory_space<vmem>>
    %dma_wait3A_140 = arith.constant 0 : i32
    %dma_wait3A_141 = arith.constant 0 : i32
    %dma_wait3A_142 = tpu.memref_slice %arg3[%dma_wait3A_140, %dma_wait3A_141] : memref<50000x512xf32, #tpu.memory_space<hbm>> -> memref<50000x512xf32, #tpu.memory_space<hbm>>
    tpu.wait_indirect_dma semaphore(%arg12 : memref<!tpu.dma_semaphore, #tpu.memory_space<semaphore_mem>>) src(%dma_wait3A_142 : memref<50000x512xf32, #tpu.memory_space<hbm>>) dst(%arg10 : memref<64x512xf32, #tpu.memory_space<vmem>>)
    %dma_start3A_143 = arith.constant 1 : i32
    %dma_start3A_144 = arith.constant 0 : i32
    %dma_start3A_145 = tpu.memref_slice %arg9[%dma_start3A_143, %dma_start3A_144] : memref<8x64xi32, #tpu.memory_space<vmem>> -> memref<1x64xi32, #tpu.memory_space<vmem>>
    %dma_start3A_146 = tpu.memref_squeeze %dma_start3A_145 : memref<1x64xi32, #tpu.memory_space<vmem>> -> memref<64xi32, #tpu.memory_space<vmem>>
    %dma_start3A_147 = arith.constant 0 : i32
    %dma_start3A_148 = arith.constant 0 : i32
    %dma_start3A_149 = tpu.memref_slice %arg3[%dma_start3A_147, %dma_start3A_148] : memref<50000x512xf32, #tpu.memory_space<hbm>> -> memref<50000x512xf32, #tpu.memory_space<hbm>>
    tpu.enqueue_indirect_dma source(%dma_start3A_149 : memref<50000x512xf32, #tpu.memory_space<hbm>>) target(%arg11 : memref<64x512xf32, #tpu.memory_space<vmem>>) offsets(%dma_start3A_146 : memref<64xi32, #tpu.memory_space<vmem>>) semaphore(%arg13 : memref<!tpu.dma_semaphore, #tpu.memory_space<semaphore_mem>>)
    %add3A_150 = arith.constant 0 : i32
    %add3A_151 = arith.addi %mul3A_2, %add3A_150 : i32
    "tpu.region"() ({
      %run_scoped3A = tpu.sem_alloc : memref<!tpu.dma_semaphore, #tpu.memory_space<semaphore_mem>>
      %dma_start3A_257 = arith.constant 0 : i32
      %dma_start3A_258 = tpu.memref_slice %arg7[%add3A_151, %dma_start3A_257] : memref<16384x512xf32, #tpu.memory_space<hbm>> -> memref<64x512xf32, #tpu.memory_space<hbm>>
      %dma_start3A_259 = arith.constant 0 : i32
      %dma_start3A_260 = tpu.memref_slice %arg7[%add3A_151, %dma_start3A_259] : memref<16384x512xf32, #tpu.memory_space<hbm>> -> memref<64x512xf32, #tpu.memory_space<hbm>>
      tpu.enqueue_dma source(%arg10 : memref<64x512xf32, #tpu.memory_space<vmem>>) target(%dma_start3A_260 : memref<64x512xf32, #tpu.memory_space<hbm>>) target_semaphore(%run_scoped3A : memref<!tpu.dma_semaphore, #tpu.memory_space<semaphore_mem>>)
      %dma_wait3A_261 = arith.constant 0 : i32
      %dma_wait3A_262 = tpu.memref_slice %arg7[%add3A_151, %dma_wait3A_261] : memref<16384x512xf32, #tpu.memory_space<hbm>> -> memref<64x512xf32, #tpu.memory_space<hbm>>
      %dma_wait3A_263 = arith.constant 0 : i32
      %dma_wait3A_264 = tpu.memref_slice %arg7[%add3A_151, %dma_wait3A_263] : memref<16384x512xf32, #tpu.memory_space<hbm>> -> memref<64x512xf32, #tpu.memory_space<hbm>>
      tpu.wait_dma2 semaphore(%run_scoped3A : memref<!tpu.dma_semaphore, #tpu.memory_space<semaphore_mem>>) src(%arg10 : memref<64x512xf32, #tpu.memory_space<vmem>>) dst(%dma_wait3A_264 : memref<64x512xf32, #tpu.memory_space<hbm>>)
      tpu.yield
    }) : () -> ()
    %dma_wait3A_152 = arith.constant 1 : i32
    %dma_wait3A_153 = arith.constant 0 : i32
    %dma_wait3A_154 = tpu.memref_slice %arg9[%dma_wait3A_152, %dma_wait3A_153] : memref<8x64xi32, #tpu.memory_space<vmem>> -> memref<1x64xi32, #tpu.memory_space<vmem>>
    %dma_wait3A_155 = tpu.memref_squeeze %dma_wait3A_154 : memref<1x64xi32, #tpu.memory_space<vmem>> -> memref<64xi32, #tpu.memory_space<vmem>>
    %dma_wait3A_156 = arith.constant 0 : i32
    %dma_wait3A_157 = arith.constant 0 : i32
    %dma_wait3A_158 = tpu.memref_slice %arg3[%dma_wait3A_156, %dma_wait3A_157] : memref<50000x512xf32, #tpu.memory_space<hbm>> -> memref<50000x512xf32, #tpu.memory_space<hbm>>
    tpu.wait_indirect_dma semaphore(%arg13 : memref<!tpu.dma_semaphore, #tpu.memory_space<semaphore_mem>>) src(%dma_wait3A_158 : memref<50000x512xf32, #tpu.memory_space<hbm>>) dst(%arg11 : memref<64x512xf32, #tpu.memory_space<vmem>>)
    %dma_start3A_159 = arith.constant 2 : i32
    %dma_start3A_160 = arith.constant 0 : i32
    %dma_start3A_161 = tpu.memref_slice %arg9[%dma_start3A_159, %dma_start3A_160] : memref<8x64xi32, #tpu.memory_space<vmem>> -> memref<1x64xi32, #tpu.memory_space<vmem>>
    %dma_start3A_162 = tpu.memref_squeeze %dma_start3A_161 : memref<1x64xi32, #tpu.memory_space<vmem>> -> memref<64xi32, #tpu.memory_space<vmem>>
    %dma_start3A_163 = arith.constant 0 : i32
    %dma_start3A_164 = arith.constant 0 : i32
    %dma_start3A_165 = tpu.memref_slice %arg3[%dma_start3A_163, %dma_start3A_164] : memref<50000x512xf32, #tpu.memory_space<hbm>> -> memref<50000x512xf32, #tpu.memory_space<hbm>>
    tpu.enqueue_indirect_dma source(%dma_start3A_165 : memref<50000x512xf32, #tpu.memory_space<hbm>>) target(%arg10 : memref<64x512xf32, #tpu.memory_space<vmem>>) offsets(%dma_start3A_162 : memref<64xi32, #tpu.memory_space<vmem>>) semaphore(%arg12 : memref<!tpu.dma_semaphore, #tpu.memory_space<semaphore_mem>>)
    %add3A_166 = arith.constant 64 : i32
    %add3A_167 = arith.addi %mul3A_2, %add3A_166 : i32
    "tpu.region"() ({
      %run_scoped3A = tpu.sem_alloc : memref<!tpu.dma_semaphore, #tpu.memory_space<semaphore_mem>>
      %dma_start3A_257 = arith.constant 0 : i32
      %dma_start3A_258 = tpu.memref_slice %arg7[%add3A_167, %dma_start3A_257] : memref<16384x512xf32, #tpu.memory_space<hbm>> -> memref<64x512xf32, #tpu.memory_space<hbm>>
      %dma_start3A_259 = arith.constant 0 : i32
      %dma_start3A_260 = tpu.memref_slice %arg7[%add3A_167, %dma_start3A_259] : memref<16384x512xf32, #tpu.memory_space<hbm>> -> memref<64x512xf32, #tpu.memory_space<hbm>>
      tpu.enqueue_dma source(%arg11 : memref<64x512xf32, #tpu.memory_space<vmem>>) target(%dma_start3A_260 : memref<64x512xf32, #tpu.memory_space<hbm>>) target_semaphore(%run_scoped3A : memref<!tpu.dma_semaphore, #tpu.memory_space<semaphore_mem>>)
      %dma_wait3A_261 = arith.constant 0 : i32
      %dma_wait3A_262 = tpu.memref_slice %arg7[%add3A_167, %dma_wait3A_261] : memref<16384x512xf32, #tpu.memory_space<hbm>> -> memref<64x512xf32, #tpu.memory_space<hbm>>
      %dma_wait3A_263 = arith.constant 0 : i32
      %dma_wait3A_264 = tpu.memref_slice %arg7[%add3A_167, %dma_wait3A_263] : memref<16384x512xf32, #tpu.memory_space<hbm>> -> memref<64x512xf32, #tpu.memory_space<hbm>>
      tpu.wait_dma2 semaphore(%run_scoped3A : memref<!tpu.dma_semaphore, #tpu.memory_space<semaphore_mem>>) src(%arg11 : memref<64x512xf32, #tpu.memory_space<vmem>>) dst(%dma_wait3A_264 : memref<64x512xf32, #tpu.memory_space<hbm>>)
      tpu.yield
    }) : () -> ()
    %dma_wait3A_168 = arith.constant 2 : i32
    %dma_wait3A_169 = arith.constant 0 : i32
    %dma_wait3A_170 = tpu.memref_slice %arg9[%dma_wait3A_168, %dma_wait3A_169] : memref<8x64xi32, #tpu.memory_space<vmem>> -> memref<1x64xi32, #tpu.memory_space<vmem>>
    %dma_wait3A_171 = tpu.memref_squeeze %dma_wait3A_170 : memref<1x64xi32, #tpu.memory_space<vmem>> -> memref<64xi32, #tpu.memory_space<vmem>>
    %dma_wait3A_172 = arith.constant 0 : i32
    %dma_wait3A_173 = arith.constant 0 : i32
    %dma_wait3A_174 = tpu.memref_slice %arg3[%dma_wait3A_172, %dma_wait3A_173] : memref<50000x512xf32, #tpu.memory_space<hbm>> -> memref<50000x512xf32, #tpu.memory_space<hbm>>
    tpu.wait_indirect_dma semaphore(%arg12 : memref<!tpu.dma_semaphore, #tpu.memory_space<semaphore_mem>>) src(%dma_wait3A_174 : memref<50000x512xf32, #tpu.memory_space<hbm>>) dst(%arg10 : memref<64x512xf32, #tpu.memory_space<vmem>>)
    %dma_start3A_175 = arith.constant 3 : i32
    %dma_start3A_176 = arith.constant 0 : i32
    %dma_start3A_177 = tpu.memref_slice %arg9[%dma_start3A_175, %dma_start3A_176] : memref<8x64xi32, #tpu.memory_space<vmem>> -> memref<1x64xi32, #tpu.memory_space<vmem>>
    %dma_start3A_178 = tpu.memref_squeeze %dma_start3A_177 : memref<1x64xi32, #tpu.memory_space<vmem>> -> memref<64xi32, #tpu.memory_space<vmem>>
    %dma_start3A_179 = arith.constant 0 : i32
    %dma_start3A_180 = arith.constant 0 : i32
    %dma_start3A_181 = tpu.memref_slice %arg3[%dma_start3A_179, %dma_start3A_180] : memref<50000x512xf32, #tpu.memory_space<hbm>> -> memref<50000x512xf32, #tpu.memory_space<hbm>>
    tpu.enqueue_indirect_dma source(%dma_start3A_181 : memref<50000x512xf32, #tpu.memory_space<hbm>>) target(%arg11 : memref<64x512xf32, #tpu.memory_space<vmem>>) offsets(%dma_start3A_178 : memref<64xi32, #tpu.memory_space<vmem>>) semaphore(%arg13 : memref<!tpu.dma_semaphore, #tpu.memory_space<semaphore_mem>>)
    %add3A_182 = arith.constant 128 : i32
    %add3A_183 = arith.addi %mul3A_2, %add3A_182 : i32
    "tpu.region"() ({
      %run_scoped3A = tpu.sem_alloc : memref<!tpu.dma_semaphore, #tpu.memory_space<semaphore_mem>>
      %dma_start3A_257 = arith.constant 0 : i32
      %dma_start3A_258 = tpu.memref_slice %arg7[%add3A_183, %dma_start3A_257] : memref<16384x512xf32, #tpu.memory_space<hbm>> -> memref<64x512xf32, #tpu.memory_space<hbm>>
      %dma_start3A_259 = arith.constant 0 : i32
      %dma_start3A_260 = tpu.memref_slice %arg7[%add3A_183, %dma_start3A_259] : memref<16384x512xf32, #tpu.memory_space<hbm>> -> memref<64x512xf32, #tpu.memory_space<hbm>>
      tpu.enqueue_dma source(%arg10 : memref<64x512xf32, #tpu.memory_space<vmem>>) target(%dma_start3A_260 : memref<64x512xf32, #tpu.memory_space<hbm>>) target_semaphore(%run_scoped3A : memref<!tpu.dma_semaphore, #tpu.memory_space<semaphore_mem>>)
      %dma_wait3A_261 = arith.constant 0 : i32
      %dma_wait3A_262 = tpu.memref_slice %arg7[%add3A_183, %dma_wait3A_261] : memref<16384x512xf32, #tpu.memory_space<hbm>> -> memref<64x512xf32, #tpu.memory_space<hbm>>
      %dma_wait3A_263 = arith.constant 0 : i32
      %dma_wait3A_264 = tpu.memref_slice %arg7[%add3A_183, %dma_wait3A_263] : memref<16384x512xf32, #tpu.memory_space<hbm>> -> memref<64x512xf32, #tpu.memory_space<hbm>>
      tpu.wait_dma2 semaphore(%run_scoped3A : memref<!tpu.dma_semaphore, #tpu.memory_space<semaphore_mem>>) src(%arg10 : memref<64x512xf32, #tpu.memory_space<vmem>>) dst(%dma_wait3A_264 : memref<64x512xf32, #tpu.memory_space<hbm>>)
      tpu.yield
    }) : () -> ()
    %dma_wait3A_184 = arith.constant 3 : i32
    %dma_wait3A_185 = arith.constant 0 : i32
    %dma_wait3A_186 = tpu.memref_slice %arg9[%dma_wait3A_184, %dma_wait3A_185] : memref<8x64xi32, #tpu.memory_space<vmem>> -> memref<1x64xi32, #tpu.memory_space<vmem>>
    %dma_wait3A_187 = tpu.memref_squeeze %dma_wait3A_186 : memref<1x64xi32, #tpu.memory_space<vmem>> -> memref<64xi32, #tpu.memory_space<vmem>>
    %dma_wait3A_188 = arith.constant 0 : i32
    %dma_wait3A_189 = arith.constant 0 : i32
    %dma_wait3A_190 = tpu.memref_slice %arg3[%dma_wait3A_188, %dma_wait3A_189] : memref<50000x512xf32, #tpu.memory_space<hbm>> -> memref<50000x512xf32, #tpu.memory_space<hbm>>
    tpu.wait_indirect_dma semaphore(%arg13 : memref<!tpu.dma_semaphore, #tpu.memory_space<semaphore_mem>>) src(%dma_wait3A_190 : memref<50000x512xf32, #tpu.memory_space<hbm>>) dst(%arg11 : memref<64x512xf32, #tpu.memory_space<vmem>>)
    %dma_start3A_191 = arith.constant 4 : i32
    %dma_start3A_192 = arith.constant 0 : i32
    %dma_start3A_193 = tpu.memref_slice %arg9[%dma_start3A_191, %dma_start3A_192] : memref<8x64xi32, #tpu.memory_space<vmem>> -> memref<1x64xi32, #tpu.memory_space<vmem>>
    %dma_start3A_194 = tpu.memref_squeeze %dma_start3A_193 : memref<1x64xi32, #tpu.memory_space<vmem>> -> memref<64xi32, #tpu.memory_space<vmem>>
    %dma_start3A_195 = arith.constant 0 : i32
    %dma_start3A_196 = arith.constant 0 : i32
    %dma_start3A_197 = tpu.memref_slice %arg3[%dma_start3A_195, %dma_start3A_196] : memref<50000x512xf32, #tpu.memory_space<hbm>> -> memref<50000x512xf32, #tpu.memory_space<hbm>>
    tpu.enqueue_indirect_dma source(%dma_start3A_197 : memref<50000x512xf32, #tpu.memory_space<hbm>>) target(%arg10 : memref<64x512xf32, #tpu.memory_space<vmem>>) offsets(%dma_start3A_194 : memref<64xi32, #tpu.memory_space<vmem>>) semaphore(%arg12 : memref<!tpu.dma_semaphore, #tpu.memory_space<semaphore_mem>>)
    %add3A_198 = arith.constant 192 : i32
    %add3A_199 = arith.addi %mul3A_2, %add3A_198 : i32
    "tpu.region"() ({
      %run_scoped3A = tpu.sem_alloc : memref<!tpu.dma_semaphore, #tpu.memory_space<semaphore_mem>>
      %dma_start3A_257 = arith.constant 0 : i32
      %dma_start3A_258 = tpu.memref_slice %arg7[%add3A_199, %dma_start3A_257] : memref<16384x512xf32, #tpu.memory_space<hbm>> -> memref<64x512xf32, #tpu.memory_space<hbm>>
      %dma_start3A_259 = arith.constant 0 : i32
      %dma_start3A_260 = tpu.memref_slice %arg7[%add3A_199, %dma_start3A_259] : memref<16384x512xf32, #tpu.memory_space<hbm>> -> memref<64x512xf32, #tpu.memory_space<hbm>>
      tpu.enqueue_dma source(%arg11 : memref<64x512xf32, #tpu.memory_space<vmem>>) target(%dma_start3A_260 : memref<64x512xf32, #tpu.memory_space<hbm>>) target_semaphore(%run_scoped3A : memref<!tpu.dma_semaphore, #tpu.memory_space<semaphore_mem>>)
      %dma_wait3A_261 = arith.constant 0 : i32
      %dma_wait3A_262 = tpu.memref_slice %arg7[%add3A_199, %dma_wait3A_261] : memref<16384x512xf32, #tpu.memory_space<hbm>> -> memref<64x512xf32, #tpu.memory_space<hbm>>
      %dma_wait3A_263 = arith.constant 0 : i32
      %dma_wait3A_264 = tpu.memref_slice %arg7[%add3A_199, %dma_wait3A_263] : memref<16384x512xf32, #tpu.memory_space<hbm>> -> memref<64x512xf32, #tpu.memory_space<hbm>>
      tpu.wait_dma2 semaphore(%run_scoped3A : memref<!tpu.dma_semaphore, #tpu.memory_space<semaphore_mem>>) src(%arg11 : memref<64x512xf32, #tpu.memory_space<vmem>>) dst(%dma_wait3A_264 : memref<64x512xf32, #tpu.memory_space<hbm>>)
      tpu.yield
    }) : () -> ()
    %dma_wait3A_200 = arith.constant 4 : i32
    %dma_wait3A_201 = arith.constant 0 : i32
    %dma_wait3A_202 = tpu.memref_slice %arg9[%dma_wait3A_200, %dma_wait3A_201] : memref<8x64xi32, #tpu.memory_space<vmem>> -> memref<1x64xi32, #tpu.memory_space<vmem>>
    %dma_wait3A_203 = tpu.memref_squeeze %dma_wait3A_202 : memref<1x64xi32, #tpu.memory_space<vmem>> -> memref<64xi32, #tpu.memory_space<vmem>>
    %dma_wait3A_204 = arith.constant 0 : i32
    %dma_wait3A_205 = arith.constant 0 : i32
    %dma_wait3A_206 = tpu.memref_slice %arg3[%dma_wait3A_204, %dma_wait3A_205] : memref<50000x512xf32, #tpu.memory_space<hbm>> -> memref<50000x512xf32, #tpu.memory_space<hbm>>
    tpu.wait_indirect_dma semaphore(%arg12 : memref<!tpu.dma_semaphore, #tpu.memory_space<semaphore_mem>>) src(%dma_wait3A_206 : memref<50000x512xf32, #tpu.memory_space<hbm>>) dst(%arg10 : memref<64x512xf32, #tpu.memory_space<vmem>>)
    %dma_start3A_207 = arith.constant 5 : i32
    %dma_start3A_208 = arith.constant 0 : i32
    %dma_start3A_209 = tpu.memref_slice %arg9[%dma_start3A_207, %dma_start3A_208] : memref<8x64xi32, #tpu.memory_space<vmem>> -> memref<1x64xi32, #tpu.memory_space<vmem>>
    %dma_start3A_210 = tpu.memref_squeeze %dma_start3A_209 : memref<1x64xi32, #tpu.memory_space<vmem>> -> memref<64xi32, #tpu.memory_space<vmem>>
    %dma_start3A_211 = arith.constant 0 : i32
    %dma_start3A_212 = arith.constant 0 : i32
    %dma_start3A_213 = tpu.memref_slice %arg3[%dma_start3A_211, %dma_start3A_212] : memref<50000x512xf32, #tpu.memory_space<hbm>> -> memref<50000x512xf32, #tpu.memory_space<hbm>>
    tpu.enqueue_indirect_dma source(%dma_start3A_213 : memref<50000x512xf32, #tpu.memory_space<hbm>>) target(%arg11 : memref<64x512xf32, #tpu.memory_space<vmem>>) offsets(%dma_start3A_210 : memref<64xi32, #tpu.memory_space<vmem>>) semaphore(%arg13 : memref<!tpu.dma_semaphore, #tpu.memory_space<semaphore_mem>>)
    %add3A_214 = arith.constant 256 : i32
    %add3A_215 = arith.addi %mul3A_2, %add3A_214 : i32
    "tpu.region"() ({
      %run_scoped3A = tpu.sem_alloc : memref<!tpu.dma_semaphore, #tpu.memory_space<semaphore_mem>>
      %dma_start3A_257 = arith.constant 0 : i32
      %dma_start3A_258 = tpu.memref_slice %arg7[%add3A_215, %dma_start3A_257] : memref<16384x512xf32, #tpu.memory_space<hbm>> -> memref<64x512xf32, #tpu.memory_space<hbm>>
      %dma_start3A_259 = arith.constant 0 : i32
      %dma_start3A_260 = tpu.memref_slice %arg7[%add3A_215, %dma_start3A_259] : memref<16384x512xf32, #tpu.memory_space<hbm>> -> memref<64x512xf32, #tpu.memory_space<hbm>>
      tpu.enqueue_dma source(%arg10 : memref<64x512xf32, #tpu.memory_space<vmem>>) target(%dma_start3A_260 : memref<64x512xf32, #tpu.memory_space<hbm>>) target_semaphore(%run_scoped3A : memref<!tpu.dma_semaphore, #tpu.memory_space<semaphore_mem>>)
      %dma_wait3A_261 = arith.constant 0 : i32
      %dma_wait3A_262 = tpu.memref_slice %arg7[%add3A_215, %dma_wait3A_261] : memref<16384x512xf32, #tpu.memory_space<hbm>> -> memref<64x512xf32, #tpu.memory_space<hbm>>
      %dma_wait3A_263 = arith.constant 0 : i32
      %dma_wait3A_264 = tpu.memref_slice %arg7[%add3A_215, %dma_wait3A_263] : memref<16384x512xf32, #tpu.memory_space<hbm>> -> memref<64x512xf32, #tpu.memory_space<hbm>>
      tpu.wait_dma2 semaphore(%run_scoped3A : memref<!tpu.dma_semaphore, #tpu.memory_space<semaphore_mem>>) src(%arg10 : memref<64x512xf32, #tpu.memory_space<vmem>>) dst(%dma_wait3A_264 : memref<64x512xf32, #tpu.memory_space<hbm>>)
      tpu.yield
    }) : () -> ()
    %dma_wait3A_216 = arith.constant 5 : i32
    %dma_wait3A_217 = arith.constant 0 : i32
    %dma_wait3A_218 = tpu.memref_slice %arg9[%dma_wait3A_216, %dma_wait3A_217] : memref<8x64xi32, #tpu.memory_space<vmem>> -> memref<1x64xi32, #tpu.memory_space<vmem>>
    %dma_wait3A_219 = tpu.memref_squeeze %dma_wait3A_218 : memref<1x64xi32, #tpu.memory_space<vmem>> -> memref<64xi32, #tpu.memory_space<vmem>>
    %dma_wait3A_220 = arith.constant 0 : i32
    %dma_wait3A_221 = arith.constant 0 : i32
    %dma_wait3A_222 = tpu.memref_slice %arg3[%dma_wait3A_220, %dma_wait3A_221] : memref<50000x512xf32, #tpu.memory_space<hbm>> -> memref<50000x512xf32, #tpu.memory_space<hbm>>
    tpu.wait_indirect_dma semaphore(%arg13 : memref<!tpu.dma_semaphore, #tpu.memory_space<semaphore_mem>>) src(%dma_wait3A_222 : memref<50000x512xf32, #tpu.memory_space<hbm>>) dst(%arg11 : memref<64x512xf32, #tpu.memory_space<vmem>>)
    %dma_start3A_223 = arith.constant 6 : i32
    %dma_start3A_224 = arith.constant 0 : i32
    %dma_start3A_225 = tpu.memref_slice %arg9[%dma_start3A_223, %dma_start3A_224] : memref<8x64xi32, #tpu.memory_space<vmem>> -> memref<1x64xi32, #tpu.memory_space<vmem>>
    %dma_start3A_226 = tpu.memref_squeeze %dma_start3A_225 : memref<1x64xi32, #tpu.memory_space<vmem>> -> memref<64xi32, #tpu.memory_space<vmem>>
    %dma_start3A_227 = arith.constant 0 : i32
    %dma_start3A_228 = arith.constant 0 : i32
    %dma_start3A_229 = tpu.memref_slice %arg3[%dma_start3A_227, %dma_start3A_228] : memref<50000x512xf32, #tpu.memory_space<hbm>> -> memref<50000x512xf32, #tpu.memory_space<hbm>>
    tpu.enqueue_indirect_dma source(%dma_start3A_229 : memref<50000x512xf32, #tpu.memory_space<hbm>>) target(%arg10 : memref<64x512xf32, #tpu.memory_space<vmem>>) offsets(%dma_start3A_226 : memref<64xi32, #tpu.memory_space<vmem>>) semaphore(%arg12 : memref<!tpu.dma_semaphore, #tpu.memory_space<semaphore_mem>>)
    %add3A_230 = arith.constant 320 : i32
    %add3A_231 = arith.addi %mul3A_2, %add3A_230 : i32
    "tpu.region"() ({
      %run_scoped3A = tpu.sem_alloc : memref<!tpu.dma_semaphore, #tpu.memory_space<semaphore_mem>>
      %dma_start3A_257 = arith.constant 0 : i32
      %dma_start3A_258 = tpu.memref_slice %arg7[%add3A_231, %dma_start3A_257] : memref<16384x512xf32, #tpu.memory_space<hbm>> -> memref<64x512xf32, #tpu.memory_space<hbm>>
      %dma_start3A_259 = arith.constant 0 : i32
      %dma_start3A_260 = tpu.memref_slice %arg7[%add3A_231, %dma_start3A_259] : memref<16384x512xf32, #tpu.memory_space<hbm>> -> memref<64x512xf32, #tpu.memory_space<hbm>>
      tpu.enqueue_dma source(%arg11 : memref<64x512xf32, #tpu.memory_space<vmem>>) target(%dma_start3A_260 : memref<64x512xf32, #tpu.memory_space<hbm>>) target_semaphore(%run_scoped3A : memref<!tpu.dma_semaphore, #tpu.memory_space<semaphore_mem>>)
      %dma_wait3A_261 = arith.constant 0 : i32
      %dma_wait3A_262 = tpu.memref_slice %arg7[%add3A_231, %dma_wait3A_261] : memref<16384x512xf32, #tpu.memory_space<hbm>> -> memref<64x512xf32, #tpu.memory_space<hbm>>
      %dma_wait3A_263 = arith.constant 0 : i32
      %dma_wait3A_264 = tpu.memref_slice %arg7[%add3A_231, %dma_wait3A_263] : memref<16384x512xf32, #tpu.memory_space<hbm>> -> memref<64x512xf32, #tpu.memory_space<hbm>>
      tpu.wait_dma2 semaphore(%run_scoped3A : memref<!tpu.dma_semaphore, #tpu.memory_space<semaphore_mem>>) src(%arg11 : memref<64x512xf32, #tpu.memory_space<vmem>>) dst(%dma_wait3A_264 : memref<64x512xf32, #tpu.memory_space<hbm>>)
      tpu.yield
    }) : () -> ()
    %dma_wait3A_232 = arith.constant 6 : i32
    %dma_wait3A_233 = arith.constant 0 : i32
    %dma_wait3A_234 = tpu.memref_slice %arg9[%dma_wait3A_232, %dma_wait3A_233] : memref<8x64xi32, #tpu.memory_space<vmem>> -> memref<1x64xi32, #tpu.memory_space<vmem>>
    %dma_wait3A_235 = tpu.memref_squeeze %dma_wait3A_234 : memref<1x64xi32, #tpu.memory_space<vmem>> -> memref<64xi32, #tpu.memory_space<vmem>>
    %dma_wait3A_236 = arith.constant 0 : i32
    %dma_wait3A_237 = arith.constant 0 : i32
    %dma_wait3A_238 = tpu.memref_slice %arg3[%dma_wait3A_236, %dma_wait3A_237] : memref<50000x512xf32, #tpu.memory_space<hbm>> -> memref<50000x512xf32, #tpu.memory_space<hbm>>
    tpu.wait_indirect_dma semaphore(%arg12 : memref<!tpu.dma_semaphore, #tpu.memory_space<semaphore_mem>>) src(%dma_wait3A_238 : memref<50000x512xf32, #tpu.memory_space<hbm>>) dst(%arg10 : memref<64x512xf32, #tpu.memory_space<vmem>>)
    %dma_start3A_239 = arith.constant 7 : i32
    %dma_start3A_240 = arith.constant 0 : i32
    %dma_start3A_241 = tpu.memref_slice %arg9[%dma_start3A_239, %dma_start3A_240] : memref<8x64xi32, #tpu.memory_space<vmem>> -> memref<1x64xi32, #tpu.memory_space<vmem>>
    %dma_start3A_242 = tpu.memref_squeeze %dma_start3A_241 : memref<1x64xi32, #tpu.memory_space<vmem>> -> memref<64xi32, #tpu.memory_space<vmem>>
    %dma_start3A_243 = arith.constant 0 : i32
    %dma_start3A_244 = arith.constant 0 : i32
    %dma_start3A_245 = tpu.memref_slice %arg3[%dma_start3A_243, %dma_start3A_244] : memref<50000x512xf32, #tpu.memory_space<hbm>> -> memref<50000x512xf32, #tpu.memory_space<hbm>>
    tpu.enqueue_indirect_dma source(%dma_start3A_245 : memref<50000x512xf32, #tpu.memory_space<hbm>>) target(%arg11 : memref<64x512xf32, #tpu.memory_space<vmem>>) offsets(%dma_start3A_242 : memref<64xi32, #tpu.memory_space<vmem>>) semaphore(%arg13 : memref<!tpu.dma_semaphore, #tpu.memory_space<semaphore_mem>>)
    %add3A_246 = arith.constant 384 : i32
    %add3A_247 = arith.addi %mul3A_2, %add3A_246 : i32
    "tpu.region"() ({
      %run_scoped3A = tpu.sem_alloc : memref<!tpu.dma_semaphore, #tpu.memory_space<semaphore_mem>>
      %dma_start3A_257 = arith.constant 0 : i32
      %dma_start3A_258 = tpu.memref_slice %arg7[%add3A_247, %dma_start3A_257] : memref<16384x512xf32, #tpu.memory_space<hbm>> -> memref<64x512xf32, #tpu.memory_space<hbm>>
      %dma_start3A_259 = arith.constant 0 : i32
      %dma_start3A_260 = tpu.memref_slice %arg7[%add3A_247, %dma_start3A_259] : memref<16384x512xf32, #tpu.memory_space<hbm>> -> memref<64x512xf32, #tpu.memory_space<hbm>>
      tpu.enqueue_dma source(%arg10 : memref<64x512xf32, #tpu.memory_space<vmem>>) target(%dma_start3A_260 : memref<64x512xf32, #tpu.memory_space<hbm>>) target_semaphore(%run_scoped3A : memref<!tpu.dma_semaphore, #tpu.memory_space<semaphore_mem>>)
      %dma_wait3A_261 = arith.constant 0 : i32
      %dma_wait3A_262 = tpu.memref_slice %arg7[%add3A_247, %dma_wait3A_261] : memref<16384x512xf32, #tpu.memory_space<hbm>> -> memref<64x512xf32, #tpu.memory_space<hbm>>
      %dma_wait3A_263 = arith.constant 0 : i32
      %dma_wait3A_264 = tpu.memref_slice %arg7[%add3A_247, %dma_wait3A_263] : memref<16384x512xf32, #tpu.memory_space<hbm>> -> memref<64x512xf32, #tpu.memory_space<hbm>>
      tpu.wait_dma2 semaphore(%run_scoped3A : memref<!tpu.dma_semaphore, #tpu.memory_space<semaphore_mem>>) src(%arg10 : memref<64x512xf32, #tpu.memory_space<vmem>>) dst(%dma_wait3A_264 : memref<64x512xf32, #tpu.memory_space<hbm>>)
      tpu.yield
    }) : () -> ()
    %dma_wait3A_248 = arith.constant 7 : i32
    %dma_wait3A_249 = arith.constant 0 : i32
    %dma_wait3A_250 = tpu.memref_slice %arg9[%dma_wait3A_248, %dma_wait3A_249] : memref<8x64xi32, #tpu.memory_space<vmem>> -> memref<1x64xi32, #tpu.memory_space<vmem>>
    %dma_wait3A_251 = tpu.memref_squeeze %dma_wait3A_250 : memref<1x64xi32, #tpu.memory_space<vmem>> -> memref<64xi32, #tpu.memory_space<vmem>>
    %dma_wait3A_252 = arith.constant 0 : i32
    %dma_wait3A_253 = arith.constant 0 : i32
    %dma_wait3A_254 = tpu.memref_slice %arg3[%dma_wait3A_252, %dma_wait3A_253] : memref<50000x512xf32, #tpu.memory_space<hbm>> -> memref<50000x512xf32, #tpu.memory_space<hbm>>
    tpu.wait_indirect_dma semaphore(%arg13 : memref<!tpu.dma_semaphore, #tpu.memory_space<semaphore_mem>>) src(%dma_wait3A_254 : memref<50000x512xf32, #tpu.memory_space<hbm>>) dst(%arg11 : memref<64x512xf32, #tpu.memory_space<vmem>>)
    %add3A_255 = arith.constant 448 : i32
    %add3A_256 = arith.addi %mul3A_2, %add3A_255 : i32
    "tpu.region"() ({
      %run_scoped3A = tpu.sem_alloc : memref<!tpu.dma_semaphore, #tpu.memory_space<semaphore_mem>>
      %dma_start3A_257 = arith.constant 0 : i32
      %dma_start3A_258 = tpu.memref_slice %arg7[%add3A_256, %dma_start3A_257] : memref<16384x512xf32, #tpu.memory_space<hbm>> -> memref<64x512xf32, #tpu.memory_space<hbm>>
      %dma_start3A_259 = arith.constant 0 : i32
      %dma_start3A_260 = tpu.memref_slice %arg7[%add3A_256, %dma_start3A_259] : memref<16384x512xf32, #tpu.memory_space<hbm>> -> memref<64x512xf32, #tpu.memory_space<hbm>>
      tpu.enqueue_dma source(%arg11 : memref<64x512xf32, #tpu.memory_space<vmem>>) target(%dma_start3A_260 : memref<64x512xf32, #tpu.memory_space<hbm>>) target_semaphore(%run_scoped3A : memref<!tpu.dma_semaphore, #tpu.memory_space<semaphore_mem>>)
      %dma_wait3A_261 = arith.constant 0 : i32
      %dma_wait3A_262 = tpu.memref_slice %arg7[%add3A_256, %dma_wait3A_261] : memref<16384x512xf32, #tpu.memory_space<hbm>> -> memref<64x512xf32, #tpu.memory_space<hbm>>
      %dma_wait3A_263 = arith.constant 0 : i32
      %dma_wait3A_264 = tpu.memref_slice %arg7[%add3A_256, %dma_wait3A_263] : memref<16384x512xf32, #tpu.memory_space<hbm>> -> memref<64x512xf32, #tpu.memory_space<hbm>>
      tpu.wait_dma2 semaphore(%run_scoped3A : memref<!tpu.dma_semaphore, #tpu.memory_space<semaphore_mem>>) src(%arg11 : memref<64x512xf32, #tpu.memory_space<vmem>>) dst(%dma_wait3A_264 : memref<64x512xf32, #tpu.memory_space<hbm>>)
      tpu.yield
    }) : () -> ()
    return
  }
}

module attributes {stable_mosaic.version = 14 : i64} {
  func.func @_fold_body(%arg0: memref<256x512xf32, #tpu.memory_space<vmem>>, %arg1: memref<256x512xf32, #tpu.memory_space<vmem>>, %arg2: memref<256x512xf32, #tpu.memory_space<vmem>>, %arg3: memref<64x512xf32, #tpu.memory_space<vmem>>, %arg4: memref<1x256xf32, #tpu.memory_space<vmem>>, %arg5: memref<1x256xf32, #tpu.memory_space<vmem>>, %arg6: memref<1x256xf32, #tpu.memory_space<vmem>>, %arg7: memref<1x64xf32, #tpu.memory_space<vmem>>, %arg8: memref<64x512xf32, #tpu.memory_space<vmem>>, %arg9: memref<64x512xf32, #tpu.memory_space<vmem>>, %arg10: memref<1x64xf32, #tpu.memory_space<vmem>>) attributes {dimension_semantics = [], scalar_prefetch = 0 : i64, scratch_operands = 0 : i64, tpu.core_type = #tpu.core_type<tc>} {
    %get3A = arith.constant 0 : index
    %get3A_0 = arith.constant 256 : index
    %get3A_1 = vector.load %arg2[%get3A, %get3A_0] : memref<256x512xf32, #tpu.memory_space<vmem>>, vector<256x256xf32>
    %get3A_2 = arith.constant 0 : index
    %get3A_3 = arith.constant 0 : index
    %get3A_4 = vector.load %arg3[%get3A_2, %get3A_3] : memref<64x512xf32, #tpu.memory_space<vmem>>, vector<64x256xf32>
    %get3A_5 = arith.constant 0 : index
    %get3A_6 = arith.constant 256 : index
    %get3A_7 = vector.load %arg3[%get3A_5, %get3A_6] : memref<64x512xf32, #tpu.memory_space<vmem>>, vector<64x256xf32>
    %dot_general3A = arith.constant dense<0.000000e+00> : vector<64x256xf32>
    %dot_general3A_8 = tpu.matmul %get3A_4, %get3A_1, %dot_general3A {dimension_numbers = #tpu.dot_dimension_numbers<[1], [0], [0], [1], [0, 0, 1, 1], [], []>, precision = #tpu.contract_precision<fp32>, transpose_lhs_hint = false} : vector<64x256xf32>, vector<256x256xf32>, vector<64x256xf32> -> vector<64x256xf32>
    %dot_general3A_9 = arith.constant dense<0.000000e+00> : vector<64x256xf32>
    %dot_general3A_10 = tpu.matmul %get3A_7, %get3A_1, %dot_general3A_9 {dimension_numbers = #tpu.dot_dimension_numbers<[1], [0], [0], [1], [0, 0, 1, 1], [], []>, precision = #tpu.contract_precision<fp32>, transpose_lhs_hint = false} : vector<64x256xf32>, vector<256x256xf32>, vector<64x256xf32> -> vector<64x256xf32>
    %get3A_11 = arith.constant 0 : index
    %get3A_12 = arith.constant 0 : index
    %get3A_13 = vector.load %arg0[%get3A_11, %get3A_12] : memref<256x512xf32, #tpu.memory_space<vmem>>, vector<256x512xf32>
    %dot_general3A_14 = arith.constant dense<0.000000e+00> : vector<64x512xf32>
    %dot_general3A_15 = tpu.matmul %dot_general3A_8, %get3A_13, %dot_general3A_14 {dimension_numbers = #tpu.dot_dimension_numbers<[1], [0], [0], [1], [0, 0, 1, 1], [], []>, precision = #tpu.contract_precision<fp32>, transpose_lhs_hint = false} : vector<64x256xf32>, vector<256x512xf32>, vector<64x512xf32> -> vector<64x512xf32>
    %swap3A = arith.constant 0 : index
    %swap3A_16 = arith.constant 0 : index
    %swap3A_17 = vector.load %arg8[%swap3A, %swap3A_16] : memref<64x512xf32, #tpu.memory_space<vmem>>, vector<64x512xf32>
    tpu.vector_store %arg8[%swap3A, %swap3A_16], %dot_general3A_15 {strides = array<i32>} : memref<64x512xf32, #tpu.memory_space<vmem>>, vector<64x512xf32>,
    %get3A_18 = arith.constant 0 : index
    %get3A_19 = arith.constant 0 : index
    %get3A_20 = vector.load %arg1[%get3A_18, %get3A_19] : memref<256x512xf32, #tpu.memory_space<vmem>>, vector<256x512xf32>
    %dot_general3A_21 = arith.constant dense<0.000000e+00> : vector<64x512xf32>
    %dot_general3A_22 = tpu.matmul %dot_general3A_10, %get3A_20, %dot_general3A_21 {dimension_numbers = #tpu.dot_dimension_numbers<[1], [0], [0], [1], [0, 0, 1, 1], [], []>, precision = #tpu.contract_precision<fp32>, transpose_lhs_hint = false} : vector<64x256xf32>, vector<256x512xf32>, vector<64x512xf32> -> vector<64x512xf32>
    %swap3A_23 = arith.constant 0 : index
    %swap3A_24 = arith.constant 0 : index
    %swap3A_25 = vector.load %arg9[%swap3A_23, %swap3A_24] : memref<64x512xf32, #tpu.memory_space<vmem>>, vector<64x512xf32>
    tpu.vector_store %arg9[%swap3A_23, %swap3A_24], %dot_general3A_22 {strides = array<i32>} : memref<64x512xf32, #tpu.memory_space<vmem>>, vector<64x512xf32>,
    %get3A_26 = arith.constant 0 : index
    %get3A_27 = arith.constant 0 : index
    %get3A_28 = vector.load %arg4[%get3A_26, %get3A_27] : memref<1x256xf32, #tpu.memory_space<vmem>>, vector<1x256xf32>
    %dot_general3A_29 = arith.constant dense<0.000000e+00> : vector<1x64xf32>
    %dot_general3A_30 = tpu.matmul %get3A_28, %dot_general3A_8, %dot_general3A_29 {dimension_numbers = #tpu.dot_dimension_numbers<[1], [1], [0], [0], [0, 0, 1, 0], [], []>, precision = #tpu.contract_precision<fp32>, transpose_lhs_hint = false} : vector<1x256xf32>, vector<64x256xf32>, vector<1x64xf32> -> vector<1x64xf32>
    %get3A_31 = arith.constant 0 : index
    %get3A_32 = arith.constant 0 : index
    %get3A_33 = vector.load %arg5[%get3A_31, %get3A_32] : memref<1x256xf32, #tpu.memory_space<vmem>>, vector<1x256xf32>
    %dot_general3A_34 = arith.constant dense<0.000000e+00> : vector<1x64xf32>
    %dot_general3A_35 = tpu.matmul %get3A_33, %dot_general3A_10, %dot_general3A_34 {dimension_numbers = #tpu.dot_dimension_numbers<[1], [1], [0], [0], [0, 0, 1, 0], [], []>, precision = #tpu.contract_precision<fp32>, transpose_lhs_hint = false} : vector<1x256xf32>, vector<64x256xf32>, vector<1x64xf32> -> vector<1x64xf32>
    %add3A = arith.addf %dot_general3A_30, %dot_general3A_35 : vector<1x64xf32>
    %get3A_36 = arith.constant 0 : index
    %get3A_37 = arith.constant 0 : index
    %get3A_38 = vector.load %arg6[%get3A_36, %get3A_37] : memref<1x256xf32, #tpu.memory_space<vmem>>, vector<1x256xf32>
    %add3A_39 = arith.addf %get3A_4, %get3A_7 : vector<64x256xf32>
    %dot_general3A_40 = arith.constant dense<0.000000e+00> : vector<1x64xf32>
    %dot_general3A_41 = tpu.matmul %get3A_38, %add3A_39, %dot_general3A_40 {dimension_numbers = #tpu.dot_dimension_numbers<[1], [1], [0], [0], [0, 0, 1, 0], [], []>, precision = #tpu.contract_precision<fp32>, transpose_lhs_hint = false} : vector<1x256xf32>, vector<64x256xf32>, vector<1x64xf32> -> vector<1x64xf32>
    %add3A_42 = arith.addf %add3A, %dot_general3A_41 : vector<1x64xf32>
    %get3A_43 = arith.constant 0 : index
    %get3A_44 = arith.constant 0 : index
    %get3A_45 = vector.load %arg7[%get3A_43, %get3A_44] : memref<1x64xf32, #tpu.memory_space<vmem>>, vector<1x64xf32>
    %add3A_46 = arith.addf %add3A_42, %get3A_45 : vector<1x64xf32>
    %swap3A_47 = arith.constant 0 : index
    %swap3A_48 = arith.constant 0 : index
    %swap3A_49 = vector.load %arg10[%swap3A_47, %swap3A_48] : memref<1x64xf32, #tpu.memory_space<vmem>>, vector<1x64xf32>
    tpu.vector_store %arg10[%swap3A_47, %swap3A_48], %add3A_46 {strides = array<i32>} : memref<1x64xf32, #tpu.memory_space<vmem>>, vector<1x64xf32>,
    return
  }
}

module attributes {stable_mosaic.version = 14 : i64} {
  func.func @_decode_body(%arg0: i32, %arg1: memref<2048x512xf32, #tpu.memory_space<vmem>>, %arg2: memref<2048x512xf32, #tpu.memory_space<vmem>>, %arg3: memref<64x512xf32, #tpu.memory_space<vmem>>, %arg4: memref<64x512xf32, #tpu.memory_space<vmem>>, %arg5: memref<1x64xf32, #tpu.memory_space<vmem>>, %arg6: memref<1x64xf32, #tpu.memory_space<vmem>>, %arg7: memref<1x1xf32, #tpu.memory_space<vmem>>, %arg8: memref<2048x1xf32, #tpu.memory_space<vmem>>) attributes {dimension_semantics = [#tpu.dimension_semantics<arbitrary>], iteration_bounds = array<i64: 8>, scalar_prefetch = 0 : i64, scratch_operands = 0 : i64, tpu.core_type = #tpu.core_type<tc>, window_params = [{transform_indices = @transform_0, window_bounds = array<i64: 2048, 512>}, {transform_indices = @transform_1, window_bounds = array<i64: 2048, 512>}, {pipeline_mode = #tpu.pipeline_mode<synchronous>, transform_indices = @transform_2, window_bounds = array<i64: 64, 512>}, {pipeline_mode = #tpu.pipeline_mode<synchronous>, transform_indices = @transform_3, window_bounds = array<i64: 64, 512>}, {pipeline_mode = #tpu.pipeline_mode<synchronous>, transform_indices = @transform_4, window_bounds = array<i64: 1, 64>}, {pipeline_mode = #tpu.pipeline_mode<synchronous>, transform_indices = @transform_5, window_bounds = array<i64: 1, 64>}, {pipeline_mode = #tpu.pipeline_mode<synchronous>, transform_indices = @transform_6, window_bounds = array<i64: 1, 1>}, {transform_indices = @transform_7, window_bounds = array<i64: 2048, 1>}]} {
    %get3A = arith.constant 0 : index
    %get3A_0 = arith.constant 0 : index
    %get3A_1 = vector.load %arg1[%get3A, %get3A_0] : memref<2048x512xf32, #tpu.memory_space<vmem>>, vector<2048x512xf32>
    %get3A_2 = arith.constant 0 : index
    %get3A_3 = arith.constant 0 : index
    %get3A_4 = vector.load %arg3[%get3A_2, %get3A_3] : memref<64x512xf32, #tpu.memory_space<vmem>>, vector<64x512xf32>
    %dot_general3A = arith.constant dense<0.000000e+00> : vector<2048x64xf32>
    %dot_general3A_5 = tpu.matmul %get3A_1, %get3A_4, %dot_general3A {dimension_numbers = #tpu.dot_dimension_numbers<[1], [1], [0], [0], [0, 0, 1, 0], [], []>, transpose_lhs_hint = false} : vector<2048x512xf32>, vector<64x512xf32>, vector<2048x64xf32> -> vector<2048x64xf32>
    %get3A_6 = arith.constant 0 : index
    %get3A_7 = arith.constant 0 : index
    %get3A_8 = vector.load %arg2[%get3A_6, %get3A_7] : memref<2048x512xf32, #tpu.memory_space<vmem>>, vector<2048x512xf32>
    %get3A_9 = arith.constant 0 : index
    %get3A_10 = arith.constant 0 : index
    %get3A_11 = vector.load %arg4[%get3A_9, %get3A_10] : memref<64x512xf32, #tpu.memory_space<vmem>>, vector<64x512xf32>
    %dot_general3A_12 = arith.constant dense<0.000000e+00> : vector<2048x64xf32>
    %dot_general3A_13 = tpu.matmul %get3A_8, %get3A_11, %dot_general3A_12 {dimension_numbers = #tpu.dot_dimension_numbers<[1], [1], [0], [0], [0, 0, 1, 0], [], []>, transpose_lhs_hint = false} : vector<2048x512xf32>, vector<64x512xf32>, vector<2048x64xf32> -> vector<2048x64xf32>
    %add3A = arith.addf %dot_general3A_5, %dot_general3A_13 : vector<2048x64xf32>
    %get3A_14 = arith.constant 0 : index
    %get3A_15 = arith.constant 0 : index
    %get3A_16 = vector.load %arg5[%get3A_14, %get3A_15] : memref<1x64xf32, #tpu.memory_space<vmem>>, vector<1x64xf32>
    %add3A_17 = vector.broadcast %get3A_16 : vector<1x64xf32> to vector<2048x64xf32>
    %add3A_18 = arith.addf %add3A, %add3A_17 : vector<2048x64xf32>
    %max3A = arith.constant 0.000000e+00 : f32
    %max3A_19 = vector.broadcast %max3A : f32 to vector<2048x64xf32>
    %max3A_20 = arith.maximumf %add3A_18, %max3A_19 : vector<2048x64xf32>
    %get3A_21 = arith.constant 0 : index
    %get3A_22 = arith.constant 0 : index
    %get3A_23 = vector.load %arg6[%get3A_21, %get3A_22] : memref<1x64xf32, #tpu.memory_space<vmem>>, vector<1x64xf32>
    %mul3A = vector.broadcast %get3A_23 : vector<1x64xf32> to vector<2048x64xf32>
    %mul3A_24 = arith.mulf %max3A_20, %mul3A : vector<2048x64xf32>
    %reduce_sum3A = arith.constant dense<0.000000e+00> : vector<2048xf32>
    %reduce_sum3A_25 = vector.multi_reduction <add>, %mul3A_24, %reduce_sum3A [1] : vector<2048x64xf32> to vector<2048xf32>
    %broadcast_in_dim3A = vector.shape_cast %reduce_sum3A_25 : vector<2048xf32> to vector<2048x1xf32>
    %get3A_26 = arith.constant 0 : index
    %get3A_27 = arith.constant 0 : index
    %get3A_28 = vector.load %arg7[%get3A_26, %get3A_27] : memref<1x1xf32, #tpu.memory_space<vmem>>, vector<1x1xf32>
    %get3A_29 = vector.extract %get3A_28[0, 0] : f32 from vector<1x1xf32>
    %add3A_30 = vector.broadcast %get3A_29 : f32 to vector<2048x1xf32>
    %add3A_31 = arith.addf %broadcast_in_dim3A, %add3A_30 : vector<2048x1xf32>
    %logistic3A = arith.negf %add3A_31 : vector<2048x1xf32>
    %logistic3A_32 = math.exp %logistic3A : vector<2048x1xf32>
    %logistic3A_33 = arith.constant 1.000000e+00 : f32
    %logistic3A_34 = vector.broadcast %logistic3A_33 : f32 to vector<2048x1xf32>
    %logistic3A_35 = arith.addf %logistic3A_34, %logistic3A_32 : vector<2048x1xf32>
    %logistic3A_36 = arith.divf %logistic3A_34, %logistic3A_35 : vector<2048x1xf32>
    %swap3A = arith.constant 0 : index
    %swap3A_37 = arith.constant 0 : index
    %swap3A_38 = vector.load %arg8[%swap3A, %swap3A_37] : memref<2048x1xf32, #tpu.memory_space<vmem>>, vector<2048x1xf32>
    tpu.vector_store %arg8[%swap3A, %swap3A_37], %logistic3A_36 {strides = array<i32>} : memref<2048x1xf32, #tpu.memory_space<vmem>>, vector<2048x1xf32>,
    return
  }
  func.func @transform_0(%arg0: i32) -> (i32, i32) {
    %c0_i32 = arith.constant 0 : i32
    %c0_i32_0 = arith.constant 0 : i32
    return %arg0, %c0_i32 : i32, i32
  }
  func.func @transform_1(%arg0: i32) -> (i32, i32) {
    %c0_i32 = arith.constant 0 : i32
    %c0_i32_0 = arith.constant 0 : i32
    return %arg0, %c0_i32 : i32, i32
  }
  func.func @transform_2(%arg0: i32) -> (i32, i32) {
    %c0_i32 = arith.constant 0 : i32
    %c0_i32_0 = arith.constant 0 : i32
    %c0_i32_1 = arith.constant 0 : i32
    return %c0_i32, %c0_i32_0 : i32, i32
  }
  func.func @transform_3(%arg0: i32) -> (i32, i32) {
    %c0_i32 = arith.constant 0 : i32
    %c0_i32_0 = arith.constant 0 : i32
    %c0_i32_1 = arith.constant 0 : i32
    return %c0_i32, %c0_i32_0 : i32, i32
  }
  func.func @transform_4(%arg0: i32) -> (i32, i32) {
    %c0_i32 = arith.constant 0 : i32
    %c0_i32_0 = arith.constant 0 : i32
    %c0_i32_1 = arith.constant 0 : i32
    return %c0_i32, %c0_i32_0 : i32, i32
  }
  func.func @transform_5(%arg0: i32) -> (i32, i32) {
    %c0_i32 = arith.constant 0 : i32
    %c0_i32_0 = arith.constant 0 : i32
    %c0_i32_1 = arith.constant 0 : i32
    return %c0_i32, %c0_i32_0 : i32, i32
  }
  func.func @transform_6(%arg0: i32) -> (i32, i32) {
    %c0_i32 = arith.constant 0 : i32
    %c0_i32_0 = arith.constant 0 : i32
    %c0_i32_1 = arith.constant 0 : i32
    return %c0_i32, %c0_i32_0 : i32, i32
  }
  func.func @transform_7(%arg0: i32) -> (i32, i32) {
    %c0_i32 = arith.constant 0 : i32
    %c0_i32_0 = arith.constant 0 : i32
    return %arg0, %c0_i32 : i32, i32
  }
}

</mosaic_0001>

<sc_bundles>
// kernel: kernel.5.cloned.1.call-start
scs
__scs_entry_jumppad:
0x0: {  	(pc) =	sbr.rel $0x88, $3  }
0x1: {  	(tag) =	ssettag $0x0;
	lr =	simm.s32 $0x1  }
0x2: {  	[smem:$0x3F93] =	sst lr;
	_ =	strace $0xD0000000  }
0x3: {  	_ = 	snop  }
0x4: {  	_ = 	snop  }
0x5: {  	_ = 	snop  }
0x6: {  	_ = 	snop  }
0x7: {  	_ = 	snop  }
__scs_overlays_trampoline_lowered:
0x8: {  	[smem:$0x3FA2] =	sst s0  }
0x9: {  	[smem:$0x3FA3] =	sst s1  }
0xa: {  	[smem:$0x3FA4] =	sst s2  }
0xb: {  	[smem:$0x3FA5] =	sst s3  }
0xc: {  	[smem:$0x3FA6] =	sst s4  }
0xd: {  	[smem:$0x3FA7] =	sst s5  }
0xe: {  	[smem:$0x3FA8] =	sst s6  }
0xf: {  	[smem:$0x3FA9] =	sst s7  }
0x10: {  	[smem:$0x3FAA] =	sst s8  }
0x11: {  	[smem:$0x3FAB] =	sst s9;
	s0 =	simm.s32 @!p0 $0x0  }
0x12: {  	s1 =	sld [smem:$0x3F91];
	s0 =	simm.s32 @p0 $0x1  }
0x13: {  	[smem:$0x3FAC] =	sst s0;
	s0 =	simm.s32 @!p1 $0x0  }
0x14: {  	s2 =	sld [smem:$0x3F90];
	s0 =	simm.s32 @p1 $0x1  }
0x15: {  	[smem:$0x3FAD] =	sst s0;
	s0 =	simm.s32 @!p2 $0x0  }
0x16: {  	s3 =	sld [smem:$0x3FDB];
	s0 =	simm.s32 @p2 $0x1  }
0x17: {  	s4 =	simm.s32 $0x1BF5;
	[smem:$0x3FAF] =	sst s0  }
0x18: {  	s0 =	sld [smem:$0x3F92];
	_ =	swait.ge [sflag:s4], $0x0  }
0x19: {  	s7 =	sld [smem:$0x3F93]  }
0x1a: {  	s8 =	sadd.s32 $0xFFFFE003, lr  }
0x1b: {  	s9 =	sadd.s32 $0xFFFFFEF7, lr;
	s5 =	simm.s32 $0xFFFFFFFF;
	p2 =	slt.u32 s8, $0xFFFFF086  }
0x1c: {  	p1 =	slt.u32 s9, $0xF7A;
	s5 =	simm.s32 @!p2 $0x0  }
0x1d: {  	s5 =	simm.s32 @p1 $0x1;
	p0 =	seq.s32 s7, s2  }
0x1e: {  	s7 =	smul.u32 @!p0 $0xF7A, s2;
	p2 =	seq.s32 @!p0 s5, $0x0  }
0x1f: {  	s9 =	smul.u32 $0xF7A, s1;
	s8 =	simm.s32 @!p0 $0x1BF5;
	p2 =	por !p2, p0  }
0x20: {  	[sflag:s8] =	ssyncset.s32 @!p0 $0xFFFFF086;
	s6 =	sadd.s32 @!p0 s3, s7;
	s7 =	simm.s32 @!p0 $0x108  }
0x21: {  	s3 =	sadd.s32 s3, s9;
	s6 =	sadd.s32 @!p0 $0x88, s6;
	s7 =	simm.s32 @p2 $0x1082  }
0x22: {  	[simem:s7], [sflag:s8] =	dma.local @!p0 [hbm:s6], $0xF7A  }
0x23: {  	s9 =	sor.u32 $0xD0000000, s2;
	s6 =	simm.s32 $0x108;
	_ =	swait.ge @!p0 [sflag:s8], $0x0  }
0x24: {  	s3 =	sadd.s32 $0x88, s3;
	s6 =	simm.s32 @!p1 $0x1082;
	[sflag:s4] =	ssyncset.s32 $0xFFFFF086  }
0x25: {  	[simem:s6], [sflag:s4] =	dma.local [hbm:s3], $0xF7A  }
0x26: {  	[smem:$0x3F93] =	sst s1;
	(tag) =	ssettag s2;
	_ =	strace s9  }
0x27: {  	s1 =	sld [smem:$0x3FA3]  }
0x28: {  	s2 =	sld [smem:$0x3FA4]  }
0x29: {  	s4 =	sld [smem:$0x3FA6]  }
0x2a: {  	p0 =	seq.s32 s5, $0x0;
	s5 =	sld [smem:$0x3FA7]  }
0x2b: {  	s6 =	sld [smem:$0x3FA8]  }
0x2c: {  	s7 =	sld [smem:$0x3FA9]  }
0x2d: {  	s3 =	simm.s32 $0x108;
	s8 =	sld [smem:$0x3FAA]  }
0x2e: {  	s3 =	simm.s32 @!p0 $0x1082;
	s9 =	sld [smem:$0x3FAB]  }
0x2f: {  	lr =	sadd.s32 s0, s3;
	s0 =	sld [smem:$0x3FA2]  }
0x30: {  	s3 =	sld [smem:$0x3FA5]  }
0x31: {  	[smem:$0x3FAE] =	sst s10  }
0x32: {  	s10 =	sld [smem:$0x3FAC];
	_ =	sdelay $0x3  }
0x33: {  	p0 =	seq.s32 s10, $0x1;
	s10 =	sld [smem:$0x3FAE];
	_ =	sdelay $0x3  }
0x34: {  	[smem:$0x3FAE] =	sst s10  }
0x35: {  	s10 =	sld [smem:$0x3FAD];
	_ =	sdelay $0x3  }
0x36: {  	p1 =	seq.s32 s10, $0x1;
	s10 =	sld [smem:$0x3FAE];
	_ =	sdelay $0x3  }
0x37: {  	[smem:$0x3FAE] =	sst s10  }
0x38: {  	s10 =	sld [smem:$0x3FAF]  }
0x39: {  	_ = 	snop;
	(pc) =	sbr.ind lr, $3  }
0x3a: {  	_ = 	snop  }
0x3b: {  	_ = 	snop  }
0x3c: {  	p2 =	seq.s32 s10, $0x1;
	s10 =	sld [smem:$0x3FAE]  }
0x3d: {  	_ =	shalt  }
0x3e: {  	_ =	shalt  }
0x3f: {  	_ =	shalt  }
0x40: {  	_ =	shalt  }
0x41: {  	_ =	shalt  }
0x42: {  	_ =	shalt  }
0x43: {  	_ =	shalt  }
0x44: {  	_ =	shalt  }
0x45: {  	_ =	shalt  }
0x46: {  	_ =	shalt  }
0x47: {  	_ =	shalt  }
0x48: {  	_ =	shalt  }
0x49: {  	_ =	shalt  }
0x4a: {  	_ =	shalt  }
0x4b: {  	_ =	shalt  }
0x4c: {  	_ =	shalt  }
0x4d: {  	_ =	shalt  }
0x4e: {  	_ =	shalt  }
0x4f: {  	_ =	shalt  }
0x50: {  	_ =	shalt  }
0x51: {  	_ =	shalt  }
0x52: {  	_ =	shalt  }
0x53: {  	_ =	shalt  }
0x54: {  	_ =	shalt  }
0x55: {  	_ =	shalt  }
0x56: {  	_ =	shalt  }
0x57: {  	_ =	shalt  }
0x58: {  	_ =	shalt  }
0x59: {  	_ =	shalt  }
0x5a: {  	_ =	shalt  }
0x5b: {  	_ =	shalt  }
0x5c: {  	_ =	shalt  }
0x5d: {  	_ =	shalt  }
0x5e: {  	_ =	shalt  }
0x5f: {  	_ =	shalt  }
0x60: {  	_ =	shalt  }
0x61: {  	_ =	shalt  }
0x62: {  	_ =	shalt  }
0x63: {  	_ =	shalt  }
0x64: {  	_ =	shalt  }
0x65: {  	_ =	shalt  }
0x66: {  	_ =	shalt  }
0x67: {  	_ =	shalt  }
0x68: {  	_ =	shalt  }
0x69: {  	_ =	shalt  }
0x6a: {  	_ =	shalt  }
0x6b: {  	_ =	shalt  }
0x6c: {  	_ =	shalt  }
0x6d: {  	_ =	shalt  }
0x6e: {  	_ =	shalt  }
0x6f: {  	_ =	shalt  }
0x70: {  	_ =	shalt  }
0x71: {  	_ =	shalt  }
0x72: {  	_ =	shalt  }
0x73: {  	_ =	shalt  }
0x74: {  	_ =	shalt  }
0x75: {  	_ =	shalt  }
0x76: {  	_ =	shalt  }
0x77: {  	_ =	shalt  }
0x78: {  	_ =	shalt  }
0x79: {  	_ =	shalt  }
0x7a: {  	_ =	shalt  }
0x7b: {  	_ =	shalt  }
0x7c: {  	_ =	shalt  }
0x7d: {  	_ =	shalt  }
0x7e: {  	_ =	shalt  }
0x7f: {  	_ =	shalt  }
0x80: {  	_ =	shalt  }
0x81: {  	_ =	shalt  }
0x82: {  	_ =	shalt  }
0x83: {  	_ =	shalt  }
0x84: {  	_ =	shalt  }
0x85: {  	_ =	shalt  }
0x86: {  	_ =	shalt  }
0x87: {  	_ =	shalt  }
.Lfunc_end0:
.L_simem_size_0:
called_computation_lowered:
.L_overlay_start_0:
0x88: {  	s2 =	sld [smem:$0x3FD9]  }
0x89: {  	s3 =	sld [smem:$0x3FFE];
	_ =	sdelay $0x1  }
0x8a: {  	s1 =	srdreg.scid  }
0x8b: {  	s0 =	sand.u32 $0x1, s1  }
0x8c: {  	s17 =	sshll.u32 s0, $0xA;
	s2 =	sadd.s32 s3, s2  }
0x8d: {  	s2 =	sadd.s32 s2, s17  }
0x8e: {  	[smem:$0x3FBA] =	sst s2  }
0x8f: {  	_ = 	snop  }
0x90: {  	s2 =	sld [smem:$0x3FC7]  }
0x91: {  	s18 =	sld [smem:$0x3FC6];
	(tm) =	ssettm $0x1  }
0x92: {  	s4 =	sld [smem:$0x3FFB];
	_ =	sdelay $0x3  }
0x93: {  	_ =	strace s4  }
0x94: {  	s4 =	sld [smem:$0x3FFC];
	_ =	sdelay $0x3  }
0x95: {  	_ =	strace s4  }
0x96: {  	s4 =	sld [smem:$0x3FFD];
	_ =	sdelay $0x3  }
0x97: {  	_ =	strace s4  }
0x98: {  	_ =	strace $0x8FFFFFFF  }
0x99: {  	s19 =	sld [smem:$0x3FDB];
	_ =	sdelay $0x1  }
0x9a: {  	s5 =	simm.s32 $_scs_section_size  }
0x9b: {  	s6 =	simm.s32 $_size__tile_overlayer_lowered;
	s7 =	simm.s32 $_tile_overlayer_lowered  }
0x9c: {  	s22 =	simm.s32 $0x1BFF;
	s21 =	sshll.u32 s7, $0x1;
	s4 =	sadd.s32 s5, s19  }
0x9d: {  	s8 =	simm.s32 $0x0;
	s20 =	sshll.u32 s6, $0x1;
	s6 =	sadd.s32 s21, s4  }
0x9e: {  	[timem:s8], [sflag:s22] =	dma.local [hbm:s6], s20  }
0x9f: {  	_ =	swait.ge [sflag:s22], s20  }
0xa0: {  	s5 =	ssub.s32 $0x0, s20;
	[sflag:s22] =	ssyncset.done $0x0  }
0xa1: {  	[sflag:s22] =	ssyncadd.s32 s5;
	_ =	sdelay $0x1  }
0xa2: {  	s23 =	simm.s32 $0x1B8B  }
0xa3: {  	_ =	swait.ge [sflag:s23], $0x1  }
0xa4: {  	[sflag:s23] =	ssyncset.done $0x0  }
0xa5: {  	s25 =	simm.s32 $0x1B8E;
	s24 =	sld [smem:$0x3FFE];
	[sflag:s23] =	ssyncadd.s32 $0xFFFFFFFF  }
0xa6: {  	s26 =	simm.s32 $execute0_lowered;
	[smem:$0x3FD2] =	sst s25  }
0xa7: {  	s6 =	sshll.u32 s26, $0x1;
	_ =	strace $0x80000046;
	[dreg:$0x1] =	wrdreg $0xFFFFFFFF  }
0xa8: {  	s28 =	simm.s32 $_size_execute0_lowered;
	s4 =	sadd.s32 s4, s6;
	[dreg:$0x0] =	wrdreg $0x0  }
0xa9: {  	s6 =	sshll.u32 s28, $0x1;
	[dreg:$0x2] =	wrdreg s4  }
0xaa: {  	[dreg:$0x3] =	wrdreg s6  }
0xab: {  	[dreg:$0x4] =	wrdreg $0xC0  }
0xac: {  	_ =	task [dreg:s8], $0x5FFFF  }
0xad: {  	[dreg:$0x1] =	wrdreg $0xFFFFFFFF  }
0xae: {  	[dreg:$0x0] =	wrdreg $0x60  }
0xaf: {  	[dreg:$0x2] =	wrdreg s2  }
0xb0: {  	[dreg:$0x3] =	wrdreg s18  }
0xb1: {  	[dreg:$0x4] =	wrdreg s24  }
0xb2: {  	[dreg:$0x5] =	wrdreg $0x9  }
0xb3: {  	_ =	task.clear_ibuf [dreg:s8], $0x6FFFF;
	_ =	strace $0x90000046  }
0xb4: {  	s29 =	simm.s32 $0x9;
	_ =	strace $0x80000048  }
0xb5: {  	_ =	swait.ge [sflag:s29], $0x1  }
0xb6: {  	[sflag:s29] =	ssyncadd.s32 $0xFFFFFFFF  }
0xb7: {  	_ =	strace $0x90000048  }
0xb8: {  	_ =	sfence  }
0xb9: {  	s30 =	sld [smem:$0x0];
	_ =	sdelay $0x2  }
0xba: {  	s31 =	sshll.u32 s1, $0xD;
	s1 =	sshrl.u32 s1, $0x2  }
0xbb: {  	s3 =	sand.u32 $0x4000, s31;
	s1 =	sadd.s32 s1, s30  }
0xbc: {  	s0 =	sor.u32 s3, s0;
	s1 =	sshll.u32 s1, $0x11  }
0xbd: {  	s0 =	sor.u32 s1, s0  }
0xbe: {  	s0 =	sadd.s32 $0x8F2B, s0  }
0xbf: {  	[sflag:s0] =	ssyncadd.remote.s32 $0x1  }
0xc0: {  	_ =	sfence.sel $0xFFFF  }
0xc1: {  	[dreg:$0x0] =	wrdreg $0xFFFFFFFF;
	(pc) =	sbr.abs _section_cstart, $3  }
0xc2: {  	[dreg:$0x1] =	wrdreg $0xFFFFFFFF  }
0xc3: {  	_ =	task.clear_ibuf [dreg:s8], $0x2FFFF;
	_ =	strace $0x9FFFFFFF  }
0xc4: {  	(tm) =	ssettm $0x7FFFFFFF  }
0xc5: {  	_ =	shalt  }
tec
execute0_lowered:
.L_overlay_start_1:
0x0: {  	(tag) =	ssettag $0x1  }
0x1: {  	s1 =	rddreg [dreg:$0x0]  }
0x2: {  	s0 =	srdreg.scid;
	s2 =	stileid.u32  }
0x3: {  	s3 =	rddreg [dreg:$0x1];
	s0 =	sand.u32 $0x1, s0;
	s2 =	sshll.u32 s2, $0x1  }
0x4: {  	s5 =	rddreg [dreg:$0x2];
	s4 =	simm.s32 $0x0;
	s2 =	sor.u32 s0, s2  }
0x5: {  	s7 =	sadd.s32 $0x3C00, s5;
	s6 =	sshll.u32 s2, $0x7;
	s2 =	sshll.u32 s2, $0xF  }
0x6: {  	[smem:$0x7FF] =	sst s4;
	s6 =	sadd.s32 s6, s5;
	s30 =	sadd.s32 s7, s2  }
0x7: {  	_ =	strace $0x80000047;
	s8 =	sadd.s32 $0x2C00, s6;
	[dreg:$0x6] =	wrdreg s30  }
0x8: {  	s31 =	sor.u32 $0x1000, s2;
	s6 =	sadd.s32 $0x1C00, s6;
	[dreg:$0x4] =	wrdreg s8  }
0x9: {  	s9 =	sor.u32 $0x2000, s2;
	s15 =	sadd.s32 s7, s31;
	[dreg:$0x5] =	wrdreg s6  }
0xa: {  	s10 =	sor.u32 $0x3000, s2;
	s16 =	sadd.s32 s7, s9;
	[dreg:$0x7] =	wrdreg s15  }
0xb: {  	s11 =	sor.u32 $0x4000, s2;
	s17 =	sadd.s32 s7, s10;
	[dreg:$0x8] =	wrdreg s16  }
0xc: {  	s12 =	sor.u32 $0x5000, s2;
	s18 =	sadd.s32 s7, s11;
	[dreg:$0x9] =	wrdreg s17  }
0xd: {  	s13 =	sor.u32 $0x6000, s2;
	s19 =	sadd.s32 s7, s12;
	[dreg:$0xa] =	wrdreg s18  }
0xe: {  	s14 =	sor.u32 $0x7000, s2;
	s20 =	sadd.s32 s7, s13;
	[dreg:$0xb] =	wrdreg s19  }
0xf: {  	s21 =	sadd.s32 s7, s14;
	s15 =	sadd.s32 $0x103C00, s5;
	[dreg:$0xc] =	wrdreg s20  }
0x10: {  	s0 =	ssub.s32 $0x2, s0;
	[dreg:$0xd] =	wrdreg s21;
	s2 =	sadd.s32 s15, s2  }
0x11: {  	s25 =	sshrl.u32 s0, $0x1;
	s22 =	sadd.s32 s15, s31;
	[dreg:$0xe] =	wrdreg s2  }
0x12: {  	s0 =	ssub.s32 s0, s25;
	s23 =	sadd.s32 s15, s9;
	[dreg:$0xf] =	wrdreg s22  }
0x13: {  	s25 =	simm.s32 $0x1;
	s24 =	sadd.s32 s15, s10;
	[dreg:$0x10] =	wrdreg s23  }
0x14: {  	s5 =	sadd.s32 $0x100, s1;
	s26 =	sadd.s32 s15, s11;
	[dreg:$0x11] =	wrdreg s24  }
0x15: {  	s6 =	sadd.s32 $0x100, s3;
	s28 =	sadd.s32 s15, s12;
	[dreg:$0x12] =	wrdreg s26  }
0x16: {  	s8 =	simm.s32 $0x3;
	s29 =	sadd.s32 s15, s13;
	[dreg:$0x13] =	wrdreg s28  }
0x17: {  	v2 =	vlaneseq.u32;
	s19 =	simm.s32 $0x2;
	s30 =	sadd.s32 s15, s14;
	[dreg:$0x14] =	wrdreg s29  }
0x18: {  	vm0 =	vmmov $0xffff;
	v1 =	vshrl.u32 v2, $0x3;
	s31 =	simm.s32 $0x400;
	s9 =	simm.s32 $0x800;
	[dreg:$0x15] =	wrdreg s30  }
0x19: {  	v0 =	vand.u32 $0x7, v2;
	v2 =	vor.u32 $0x8, v2;
	v1 =	vmul.u32 $0x8, v1;
	s2 =	smax.u32 s0, $0x1;
	[dreg:$0x16] =	wrdreg s31;
	s26 =	simm.s32 $0x8800  }
.LBB2_1:
0x1a: {  	[dreg:$0x17] =	wrdreg s2  }
0x1b: {  	s20 =	rddreg [dreg:$0x4]  }
0x1c: {  	[tilespmem:s4], [sflag:$0x3] =	stream.linear.gather [hbm4b:s20+s4], $0x400, $0x38;
	[tilespmem:$0x10800] =	vst v63  }
0x1d: {  	_ =	swait.ge [sflag:s8], $0x400  }
0x1e: {  	s22 =	rddreg [dreg:$0x5];
	[sflag:s8] =	ssyncset.done $0x0  }
0x1f: {  	s21 =	rddreg [dreg:$0x16];
	[sflag:s8] =	ssyncadd.s32 $0xFFFFFC00  }
0x20: {  	[tilespmem:s21], [sflag:$0x3] =	stream.linear.gather [hbm4b:s22+s4], $0x400, $0x38;
	[tilespmem:$0x10800] =	vst v63  }
0x21: {  	_ =	swait.ge [sflag:s8], $0x400  }
0x22: {  	[sflag:s8] =	ssyncset.done $0x0  }
0x23: {  	[sflag:s8] =	ssyncadd.s32 $0xFFFFFC00  }
0x24: {  	v3 =	vld [tilespmem:$0x0];
	_ =	sdelay $0x4  }
0x25: {  	v4 =	vshll.u32 v3, $0x2  }
0x26: {  	v3 =	vand.u32 $0x7, v3;
	v4 =	vand.u32 $0xFFFFFFE0, v4  }
0x27: {  	v3 =	vor.u32 v3, v4  }
0x28: {  	v4 =	vperm.xlane v3, v0;
	_ =	sdelay $0x1  }
0x29: {  	v4 =	vadd.s32 v1, v4;
	_ =	sdelay $0x1  }
0x2a: {  	v3 =	vperm.xlane v3, v2;
	_ =	sdelay $0x1  }
0x2b: {  	v3 =	vadd.s32 v1, v3  }
0x2c: {  	[tilespmem:s9], [sflag:$0x1] =	stream.indirect_vreg.gather [hbm4b:s1+s4], $0x80, v4, vm0, $0xb8;
	[tilespmem:$0x10800] =	vst v63  }
0x2d: {  	s0 =	simm.s32 $0x1000  }
0x2e: {  	[tilespmem:s0], [sflag:$0x1] =	stream.indirect_vreg.gather [hbm4b:s5+s4], $0x80, v4, vm0, $0xb8;
	[tilespmem:$0x10800] =	vst v63  }
0x2f: {  	s23 =	simm.s32 $0x1800  }
0x30: {  	[tilespmem:s23], [sflag:$0x1] =	stream.indirect_vreg.gather [hbm4b:s1+s4], $0x80, v3, vm0, $0xb8;
	[tilespmem:$0x10800] =	vst v63  }
0x31: {  	s24 =	simm.s32 $0x2000  }
0x32: {  	[tilespmem:s24], [sflag:$0x1] =	stream.indirect_vreg.gather [hbm4b:s5+s4], $0x80, v3, vm0, $0xb8;
	[tilespmem:$0x10800] =	vst v63  }
0x33: {  	v3 =	vld [tilespmem:$0x10];
	_ =	sdelay $0x4  }
0x34: {  	v57 =	vshll.u32 v3, $0x2  }
0x35: {  	v3 =	vand.u32 $0x7, v3;
	v4 =	vand.u32 $0xFFFFFFE0, v57  }
0x36: {  	v3 =	vor.u32 v3, v4  }
0x37: {  	v4 =	vperm.xlane v3, v0;
	_ =	sdelay $0x1  }
0x38: {  	v4 =	vadd.s32 v1, v4;
	_ =	sdelay $0x1  }
0x39: {  	v3 =	vperm.xlane v3, v2;
	_ =	sdelay $0x1  }
0x3a: {  	s28 =	simm.s32 $0x2800;
	v3 =	vadd.s32 v1, v3  }
0x3b: {  	[tilespmem:s28], [sflag:$0x1] =	stream.indirect_vreg.gather [hbm4b:s1+s4], $0x80, v4, vm0, $0xb8;
	[tilespmem:$0x10800] =	vst v63  }
0x3c: {  	s29 =	simm.s32 $0x3000  }
0x3d: {  	[tilespmem:s29], [sflag:$0x1] =	stream.indirect_vreg.gather [hbm4b:s5+s4], $0x80, v4, vm0, $0xb8;
	[tilespmem:$0x10800] =	vst v63  }
0x3e: {  	s30 =	simm.s32 $0x3800  }
0x3f: {  	[tilespmem:s30], [sflag:$0x1] =	stream.indirect_vreg.gather [hbm4b:s1+s4], $0x80, v3, vm0, $0xb8;
	[tilespmem:$0x10800] =	vst v63  }
0x40: {  	s31 =	simm.s32 $0x4000  }
0x41: {  	[tilespmem:s31], [sflag:$0x1] =	stream.indirect_vreg.gather [hbm4b:s5+s4], $0x80, v3, vm0, $0xb8;
	[tilespmem:$0x10800] =	vst v63  }
0x42: {  	v3 =	vld [tilespmem:$0x20];
	_ =	sdelay $0x4  }
0x43: {  	v58 =	vshll.u32 v3, $0x2  }
0x44: {  	v3 =	vand.u32 $0x7, v3;
	v4 =	vand.u32 $0xFFFFFFE0, v58  }
0x45: {  	v3 =	vor.u32 v3, v4  }
0x46: {  	v4 =	vperm.xlane v3, v0;
	_ =	sdelay $0x1  }
0x47: {  	v4 =	vadd.s32 v1, v4;
	_ =	sdelay $0x1  }
0x48: {  	v3 =	vperm.xlane v3, v2;
	_ =	sdelay $0x1  }
0x49: {  	s2 =	simm.s32 $0x4800;
	v3 =	vadd.s32 v1, v3  }
0x4a: {  	[tilespmem:s2], [sflag:$0x1] =	stream.indirect_vreg.gather [hbm4b:s1+s4], $0x80, v4, vm0, $0xb8;
	[tilespmem:$0x10800] =	vst v63  }
0x4b: {  	s7 =	simm.s32 $0x5000  }
0x4c: {  	[tilespmem:s7], [sflag:$0x1] =	stream.indirect_vreg.gather [hbm4b:s5+s4], $0x80, v4, vm0, $0xb8;
	[tilespmem:$0x10800] =	vst v63  }
0x4d: {  	s10 =	simm.s32 $0x5800  }
0x4e: {  	[tilespmem:s10], [sflag:$0x1] =	stream.indirect_vreg.gather [hbm4b:s1+s4], $0x80, v3, vm0, $0xb8;
	[tilespmem:$0x10800] =	vst v63  }
0x4f: {  	s11 =	simm.s32 $0x6000  }
0x50: {  	[tilespmem:s11], [sflag:$0x1] =	stream.indirect_vreg.gather [hbm4b:s5+s4], $0x80, v3, vm0, $0xb8;
	[tilespmem:$0x10800] =	vst v63  }
0x51: {  	v3 =	vld [tilespmem:$0x30];
	_ =	sdelay $0x4  }
0x52: {  	v59 =	vshll.u32 v3, $0x2  }
0x53: {  	v3 =	vand.u32 $0x7, v3;
	v4 =	vand.u32 $0xFFFFFFE0, v59  }
0x54: {  	v3 =	vor.u32 v3, v4  }
0x55: {  	v4 =	vperm.xlane v3, v0;
	_ =	sdelay $0x1  }
0x56: {  	v4 =	vadd.s32 v1, v4;
	_ =	sdelay $0x1  }
0x57: {  	v3 =	vperm.xlane v3, v2;
	_ =	sdelay $0x1  }
0x58: {  	s12 =	simm.s32 $0x6800;
	v3 =	vadd.s32 v1, v3  }
0x59: {  	[tilespmem:s12], [sflag:$0x1] =	stream.indirect_vreg.gather [hbm4b:s1+s4], $0x80, v4, vm0, $0xb8;
	[tilespmem:$0x10800] =	vst v63  }
0x5a: {  	s15 =	simm.s32 $0x7000  }
0x5b: {  	[tilespmem:s15], [sflag:$0x1] =	stream.indirect_vreg.gather [hbm4b:s5+s4], $0x80, v4, vm0, $0xb8;
	[tilespmem:$0x10800] =	vst v63  }
0x5c: {  	s17 =	simm.s32 $0x7800  }
0x5d: {  	[tilespmem:s17], [sflag:$0x1] =	stream.indirect_vreg.gather [hbm4b:s1+s4], $0x80, v3, vm0, $0xb8;
	[tilespmem:$0x10800] =	vst v63  }
0x5e: {  	s18 =	simm.s32 $0x8000  }
0x5f: {  	[tilespmem:s18], [sflag:$0x1] =	stream.indirect_vreg.gather [hbm4b:s5+s4], $0x80, v3, vm0, $0xb8;
	[tilespmem:$0x10800] =	vst v63  }
0x60: {  	_ =	swait.ge [sflag:s25], $0x8000  }
0x61: {  	[sflag:s25] =	ssyncset.done $0x0  }
0x62: {  	[sflag:s25] =	ssyncadd.s32 $0xFFFF8000  }
0x63: {  	v3 =	vld [tilespmem:$0x80];
	_ =	sdelay $0x4  }
0x64: {  	v60 =	vshll.u32 v3, $0x2  }
0x65: {  	v3 =	vand.u32 $0x7, v3;
	v4 =	vand.u32 $0xFFFFFFE0, v60  }
0x66: {  	v3 =	vor.u32 v3, v4  }
0x67: {  	v4 =	vperm.xlane v3, v0;
	_ =	sdelay $0x1  }
0x68: {  	v4 =	vadd.s32 v1, v4;
	_ =	sdelay $0x1  }
0x69: {  	v3 =	vperm.xlane v3, v2;
	_ =	sdelay $0x1  }
0x6a: {  	v3 =	vadd.s32 v1, v3  }
0x6b: {  	[tilespmem:s26], [sflag:$0x2] =	stream.indirect_vreg.gather [hbm4b:s1+s4], $0x80, v4, vm0, $0xb8;
	[tilespmem:$0x10800] =	vst v63  }
0x6c: {  	s15 =	simm.s32 $0x9000  }
0x6d: {  	[tilespmem:s15], [sflag:$0x2] =	stream.indirect_vreg.gather [hbm4b:s5+s4], $0x80, v4, vm0, $0xb8;
	[tilespmem:$0x10800] =	vst v63  }
0x6e: {  	s20 =	simm.s32 $0x9800  }
0x6f: {  	[tilespmem:s20], [sflag:$0x2] =	stream.indirect_vreg.gather [hbm4b:s1+s4], $0x80, v3, vm0, $0xb8;
	[tilespmem:$0x10800] =	vst v63  }
0x70: {  	s31 =	simm.s32 $0xA000  }
0x71: {  	[tilespmem:s31], [sflag:$0x2] =	stream.indirect_vreg.gather [hbm4b:s5+s4], $0x80, v3, vm0, $0xb8;
	[tilespmem:$0x10800] =	vst v63  }
0x72: {  	v3 =	vld [tilespmem:$0x90];
	_ =	sdelay $0x4  }
0x73: {  	v61 =	vshll.u32 v3, $0x2  }
0x74: {  	v3 =	vand.u32 $0x7, v3;
	v4 =	vand.u32 $0xFFFFFFE0, v61  }
0x75: {  	v3 =	vor.u32 v3, v4  }
0x76: {  	v4 =	vperm.xlane v3, v0;
	_ =	sdelay $0x1  }
0x77: {  	v4 =	vadd.s32 v1, v4;
	_ =	sdelay $0x1  }
0x78: {  	v3 =	vperm.xlane v3, v2;
	_ =	sdelay $0x1  }
0x79: {  	s10 =	simm.s32 $0xA800;
	v3 =	vadd.s32 v1, v3  }
0x7a: {  	[tilespmem:s10], [sflag:$0x2] =	stream.indirect_vreg.gather [hbm4b:s1+s4], $0x80, v4, vm0, $0xb8;
	[tilespmem:$0x10800] =	vst v63  }
0x7b: {  	s12 =	simm.s32 $0xB000  }
0x7c: {  	[tilespmem:s12], [sflag:$0x2] =	stream.indirect_vreg.gather [hbm4b:s5+s4], $0x80, v4, vm0, $0xb8;
	[tilespmem:$0x10800] =	vst v63  }
0x7d: {  	s15 =	simm.s32 $0xB800  }
0x7e: {  	[tilespmem:s15], [sflag:$0x2] =	stream.indirect_vreg.gather [hbm4b:s1+s4], $0x80, v3, vm0, $0xb8;
	[tilespmem:$0x10800] =	vst v63  }
0x7f: {  	s17 =	simm.s32 $0xC000  }
0x80: {  	[tilespmem:s17], [sflag:$0x2] =	stream.indirect_vreg.gather [hbm4b:s5+s4], $0x80, v3, vm0, $0xb8;
	[tilespmem:$0x10800] =	vst v63  }
0x81: {  	v3 =	vld [tilespmem:$0xA0];
	_ =	sdelay $0x4  }
0x82: {  	v62 =	vshll.u32 v3, $0x2  }
0x83: {  	v3 =	vand.u32 $0x7, v3;
	v4 =	vand.u32 $0xFFFFFFE0, v62  }
0x84: {  	v3 =	vor.u32 v3, v4  }
0x85: {  	v4 =	vperm.xlane v3, v0;
	_ =	sdelay $0x1  }
0x86: {  	v4 =	vadd.s32 v1, v4;
	_ =	sdelay $0x1  }
0x87: {  	v3 =	vperm.xlane v3, v2;
	_ =	sdelay $0x1  }
0x88: {  	s31 =	simm.s32 $0xC800;
	v3 =	vadd.s32 v1, v3  }
0x89: {  	[tilespmem:s31], [sflag:$0x2] =	stream.indirect_vreg.gather [hbm4b:s1+s4], $0x80, v4, vm0, $0xb8;
	[tilespmem:$0x10800] =	vst v63  }
0x8a: {  	s12 =	simm.s32 $0xD000  }
0x8b: {  	[tilespmem:s12], [sflag:$0x2] =	stream.indirect_vreg.gather [hbm4b:s5+s4], $0x80, v4, vm0, $0xb8;
	[tilespmem:$0x10800] =	vst v63  }
0x8c: {  	s15 =	simm.s32 $0xD800  }
0x8d: {  	[tilespmem:s15], [sflag:$0x2] =	stream.indirect_vreg.gather [hbm4b:s1+s4], $0x80, v3, vm0, $0xb8;
	[tilespmem:$0x10800] =	vst v63  }
0x8e: {  	s17 =	simm.s32 $0xE000  }
0x8f: {  	[tilespmem:s17], [sflag:$0x2] =	stream.indirect_vreg.gather [hbm4b:s5+s4], $0x80, v3, vm0, $0xb8;
	[tilespmem:$0x10800] =	vst v63  }
0x90: {  	v3 =	vld [tilespmem:$0xB0];
	_ =	sdelay $0x4  }
0x91: {  	v63 =	vshll.u32 v3, $0x2  }
0x92: {  	v3 =	vand.u32 $0x7, v3;
	v4 =	vand.u32 $0xFFFFFFE0, v63  }
0x93: {  	v3 =	vor.u32 v3, v4  }
0x94: {  	v4 =	vperm.xlane v3, v0;
	_ =	sdelay $0x1  }
0x95: {  	v4 =	vadd.s32 v1, v4;
	_ =	sdelay $0x1  }
0x96: {  	v3 =	vperm.xlane v3, v2;
	_ =	sdelay $0x1  }
0x97: {  	s31 =	simm.s32 $0xE800;
	v3 =	vadd.s32 v1, v3  }
0x98: {  	[tilespmem:s31], [sflag:$0x2] =	stream.indirect_vreg.gather [hbm4b:s1+s4], $0x80, v4, vm0, $0xb8;
	[tilespmem:$0x10800] =	vst v63  }
0x99: {  	s12 =	simm.s32 $0xF000  }
0x9a: {  	[tilespmem:s12], [sflag:$0x2] =	stream.indirect_vreg.gather [hbm4b:s5+s4], $0x80, v4, vm0, $0xb8;
	[tilespmem:$0x10800] =	vst v63  }
0x9b: {  	s15 =	simm.s32 $0xF800  }
0x9c: {  	[tilespmem:s15], [sflag:$0x2] =	stream.indirect_vreg.gather [hbm4b:s1+s4], $0x80, v3, vm0, $0xb8;
	[tilespmem:$0x10800] =	vst v63  }
0x9d: {  	s12 =	simm.s32 $0x10000  }
0x9e: {  	[tilespmem:s12], [sflag:$0x2] =	stream.indirect_vreg.gather [hbm4b:s5+s4], $0x80, v3, vm0, $0xb8;
	[tilespmem:$0x10800] =	vst v63  }
0x9f: {  	s31 =	rddreg [dreg:$0x6]  }
0xa0: {  	[hbm4b:s31+s4] =	stream.linear.scatter [tilespmem:s9], [sflag:$0x3], $0x8000, $0x38;
	[tilespmem:$0x10800] =	vst v63  }
0xa1: {  	_ =	swait.ge [sflag:s8], $0x8000  }
0xa2: {  	[sflag:s8] =	ssyncset.done $0x0  }
0xa3: {  	[sflag:s8] =	ssyncadd.s32 $0xFFFF8000  }
0xa4: {  	_ =	swait.ge [sflag:s19], $0x8000  }
0xa5: {  	[sflag:s19] =	ssyncset.done $0x0  }
0xa6: {  	[sflag:s19] =	ssyncadd.s32 $0xFFFF8000  }
0xa7: {  	v3 =	vld [tilespmem:$0x100];
	_ =	sdelay $0x4  }
0xa8: {  	v8 =	vshll.u32 v3, $0x2  }
0xa9: {  	v3 =	vand.u32 $0x7, v3;
	v4 =	vand.u32 $0xFFFFFFE0, v8  }
0xaa: {  	v3 =	vor.u32 v3, v4  }
0xab: {  	v4 =	vperm.xlane v3, v0;
	_ =	sdelay $0x1  }
0xac: {  	v4 =	vadd.s32 v1, v4;
	_ =	sdelay $0x1  }
0xad: {  	v3 =	vperm.xlane v3, v2;
	_ =	sdelay $0x1  }
0xae: {  	v3 =	vadd.s32 v1, v3  }
0xaf: {  	[tilespmem:s9], [sflag:$0x1] =	stream.indirect_vreg.gather [hbm4b:s1+s4], $0x80, v4, vm0, $0xb8;
	[tilespmem:$0x10800] =	vst v63  }
0xb0: {  	s21 =	simm.s32 $0x1000  }
0xb1: {  	[tilespmem:s21], [sflag:$0x1] =	stream.indirect_vreg.gather [hbm4b:s5+s4], $0x80, v4, vm0, $0xb8;
	[tilespmem:$0x10800] =	vst v63  }
0xb2: {  	s16 =	simm.s32 $0x1800  }
0xb3: {  	[tilespmem:s16], [sflag:$0x1] =	stream.indirect_vreg.gather [hbm4b:s1+s4], $0x80, v3, vm0, $0xb8;
	[tilespmem:$0x10800] =	vst v63  }
0xb4: {  	s22 =	simm.s32 $0x2000  }
0xb5: {  	[tilespmem:s22], [sflag:$0x1] =	stream.indirect_vreg.gather [hbm4b:s5+s4], $0x80, v3, vm0, $0xb8;
	[tilespmem:$0x10800] =	vst v63  }
0xb6: {  	v3 =	vld [tilespmem:$0x110];
	_ =	sdelay $0x4  }
0xb7: {  	v9 =	vshll.u32 v3, $0x2  }
0xb8: {  	v3 =	vand.u32 $0x7, v3;
	v4 =	vand.u32 $0xFFFFFFE0, v9  }
0xb9: {  	v3 =	vor.u32 v3, v4  }
0xba: {  	v4 =	vperm.xlane v3, v0;
	_ =	sdelay $0x1  }
0xbb: {  	v4 =	vadd.s32 v1, v4;
	_ =	sdelay $0x1  }
0xbc: {  	v3 =	vperm.xlane v3, v2;
	_ =	sdelay $0x1  }
0xbd: {  	s23 =	simm.s32 $0x2800;
	v3 =	vadd.s32 v1, v3  }
0xbe: {  	[tilespmem:s23], [sflag:$0x1] =	stream.indirect_vreg.gather [hbm4b:s1+s4], $0x80, v4, vm0, $0xb8;
	[tilespmem:$0x10800] =	vst v63  }
0xbf: {  	s24 =	simm.s32 $0x3000  }
0xc0: {  	[tilespmem:s24], [sflag:$0x1] =	stream.indirect_vreg.gather [hbm4b:s5+s4], $0x80, v4, vm0, $0xb8;
	[tilespmem:$0x10800] =	vst v63  }
0xc1: {  	s28 =	simm.s32 $0x3800  }
0xc2: {  	[tilespmem:s28], [sflag:$0x1] =	stream.indirect_vreg.gather [hbm4b:s1+s4], $0x80, v3, vm0, $0xb8;
	[tilespmem:$0x10800] =	vst v63  }
0xc3: {  	s29 =	simm.s32 $0x4000  }
0xc4: {  	[tilespmem:s29], [sflag:$0x1] =	stream.indirect_vreg.gather [hbm4b:s5+s4], $0x80, v3, vm0, $0xb8;
	[tilespmem:$0x10800] =	vst v63  }
0xc5: {  	v3 =	vld [tilespmem:$0x120];
	_ =	sdelay $0x4  }
0xc6: {  	v10 =	vshll.u32 v3, $0x2  }
0xc7: {  	v3 =	vand.u32 $0x7, v3;
	v4 =	vand.u32 $0xFFFFFFE0, v10  }
0xc8: {  	v3 =	vor.u32 v3, v4  }
0xc9: {  	v4 =	vperm.xlane v3, v0;
	_ =	sdelay $0x1  }
0xca: {  	v4 =	vadd.s32 v1, v4;
	_ =	sdelay $0x1  }
0xcb: {  	v3 =	vperm.xlane v3, v2;
	_ =	sdelay $0x1  }
0xcc: {  	s30 =	simm.s32 $0x4800;
	v3 =	vadd.s32 v1, v3  }
0xcd: {  	[tilespmem:s30], [sflag:$0x1] =	stream.indirect_vreg.gather [hbm4b:s1+s4], $0x80, v4, vm0, $0xb8;
	[tilespmem:$0x10800] =	vst v63  }
0xce: {  	s14 =	simm.s32 $0x5000  }
0xcf: {  	[tilespmem:s14], [sflag:$0x1] =	stream.indirect_vreg.gather [hbm4b:s5+s4], $0x80, v4, vm0, $0xb8;
	[tilespmem:$0x10800] =	vst v63  }
0xd0: {  	s13 =	simm.s32 $0x5800  }
0xd1: {  	[tilespmem:s13], [sflag:$0x1] =	stream.indirect_vreg.gather [hbm4b:s1+s4], $0x80, v3, vm0, $0xb8;
	[tilespmem:$0x10800] =	vst v63  }
0xd2: {  	s22 =	simm.s32 $0x6000  }
0xd3: {  	[tilespmem:s22], [sflag:$0x1] =	stream.indirect_vreg.gather [hbm4b:s5+s4], $0x80, v3, vm0, $0xb8;
	[tilespmem:$0x10800] =	vst v63  }
0xd4: {  	v3 =	vld [tilespmem:$0x130];
	_ =	sdelay $0x4  }
0xd5: {  	v11 =	vshll.u32 v3, $0x2  }
0xd6: {  	v3 =	vand.u32 $0x7, v3;
	v4 =	vand.u32 $0xFFFFFFE0, v11  }
0xd7: {  	v3 =	vor.u32 v3, v4  }
0xd8: {  	v4 =	vperm.xlane v3, v0;
	_ =	sdelay $0x1  }
0xd9: {  	v4 =	vadd.s32 v1, v4;
	_ =	sdelay $0x1  }
0xda: {  	v3 =	vperm.xlane v3, v2;
	_ =	sdelay $0x1  }
0xdb: {  	s13 =	simm.s32 $0x6800;
	v3 =	vadd.s32 v1, v3  }
0xdc: {  	[tilespmem:s13], [sflag:$0x1] =	stream.indirect_vreg.gather [hbm4b:s1+s4], $0x80, v4, vm0, $0xb8;
	[tilespmem:$0x10800] =	vst v63  }
0xdd: {  	s14 =	simm.s32 $0x7000  }
0xde: {  	[tilespmem:s14], [sflag:$0x1] =	stream.indirect_vreg.gather [hbm4b:s5+s4], $0x80, v4, vm0, $0xb8;
	[tilespmem:$0x10800] =	vst v63  }
0xdf: {  	s16 =	simm.s32 $0x7800  }
0xe0: {  	[tilespmem:s16], [sflag:$0x1] =	stream.indirect_vreg.gather [hbm4b:s1+s4], $0x80, v3, vm0, $0xb8;
	[tilespmem:$0x10800] =	vst v63  }
0xe1: {  	s18 =	simm.s32 $0x8000  }
0xe2: {  	[tilespmem:s18], [sflag:$0x1] =	stream.indirect_vreg.gather [hbm4b:s5+s4], $0x80, v3, vm0, $0xb8;
	[tilespmem:$0x10800] =	vst v63  }
0xe3: {  	s15 =	rddreg [dreg:$0x7]  }
0xe4: {  	[hbm4b:s15+s4] =	stream.linear.scatter [tilespmem:s26], [sflag:$0x3], $0x8000, $0x38;
	[tilespmem:$0x10800] =	vst v63  }
0xe5: {  	_ =	swait.ge [sflag:s8], $0x8000  }
0xe6: {  	[sflag:s8] =	ssyncset.done $0x0  }
0xe7: {  	[sflag:s8] =	ssyncadd.s32 $0xFFFF8000  }
0xe8: {  	_ =	swait.ge [sflag:s25], $0x8000  }
0xe9: {  	[sflag:s25] =	ssyncset.done $0x0  }
0xea: {  	[sflag:s25] =	ssyncadd.s32 $0xFFFF8000  }
0xeb: {  	v3 =	vld [tilespmem:$0x180];
	_ =	sdelay $0x4  }
0xec: {  	v12 =	vshll.u32 v3, $0x2  }
0xed: {  	v3 =	vand.u32 $0x7, v3;
	v4 =	vand.u32 $0xFFFFFFE0, v12  }
0xee: {  	v3 =	vor.u32 v3, v4  }
0xef: {  	v4 =	vperm.xlane v3, v0;
	_ =	sdelay $0x1  }
0xf0: {  	v4 =	vadd.s32 v1, v4;
	_ =	sdelay $0x1  }
0xf1: {  	v3 =	vperm.xlane v3, v2;
	_ =	sdelay $0x1  }
0xf2: {  	v3 =	vadd.s32 v1, v3  }
0xf3: {  	[tilespmem:s26], [sflag:$0x2] =	stream.indirect_vreg.gather [hbm4b:s1+s4], $0x80, v4, vm0, $0xb8;
	[tilespmem:$0x10800] =	vst v63  }
0xf4: {  	s2 =	simm.s32 $0x9000  }
0xf5: {  	[tilespmem:s2], [sflag:$0x2] =	stream.indirect_vreg.gather [hbm4b:s5+s4], $0x80, v4, vm0, $0xb8;
	[tilespmem:$0x10800] =	vst v63  }
0xf6: {  	s7 =	simm.s32 $0x9800  }
0xf7: {  	[tilespmem:s7], [sflag:$0x2] =	stream.indirect_vreg.gather [hbm4b:s1+s4], $0x80, v3, vm0, $0xb8;
	[tilespmem:$0x10800] =	vst v63  }
0xf8: {  	s11 =	simm.s32 $0xA000  }
0xf9: {  	[tilespmem:s11], [sflag:$0x2] =	stream.indirect_vreg.gather [hbm4b:s5+s4], $0x80, v3, vm0, $0xb8;
	[tilespmem:$0x10800] =	vst v63  }
0xfa: {  	v3 =	vld [tilespmem:$0x190];
	_ =	sdelay $0x4  }
0xfb: {  	v13 =	vshll.u32 v3, $0x2  }
0xfc: {  	v3 =	vand.u32 $0x7, v3;
	v4 =	vand.u32 $0xFFFFFFE0, v13  }
0xfd: {  	v3 =	vor.u32 v3, v4  }
0xfe: {  	v4 =	vperm.xlane v3, v0;
	_ =	sdelay $0x1  }
0xff: {  	v4 =	vadd.s32 v1, v4;
	_ =	sdelay $0x1  }
0x100: {  	v3 =	vperm.xlane v3, v2;
	_ =	sdelay $0x1  }
0x101: {  	s0 =	simm.s32 $0xA800;
	v3 =	vadd.s32 v1, v3  }
0x102: {  	[tilespmem:s0], [sflag:$0x2] =	stream.indirect_vreg.gather [hbm4b:s1+s4], $0x80, v4, vm0, $0xb8;
	[tilespmem:$0x10800] =	vst v63  }
0x103: {  	s15 =	simm.s32 $0xB000  }
0x104: {  	[tilespmem:s15], [sflag:$0x2] =	stream.indirect_vreg.gather [hbm4b:s5+s4], $0x80, v4, vm0, $0xb8;
	[tilespmem:$0x10800] =	vst v63  }
0x105: {  	s0 =	simm.s32 $0xB800  }
0x106: {  	[tilespmem:s0], [sflag:$0x2] =	stream.indirect_vreg.gather [hbm4b:s1+s4], $0x80, v3, vm0, $0xb8;
	[tilespmem:$0x10800] =	vst v63  }
0x107: {  	s10 =	simm.s32 $0xC000  }
0x108: {  	[tilespmem:s10], [sflag:$0x2] =	stream.indirect_vreg.gather [hbm4b:s5+s4], $0x80, v3, vm0, $0xb8;
	[tilespmem:$0x10800] =	vst v63  }
0x109: {  	v3 =	vld [tilespmem:$0x1A0];
	_ =	sdelay $0x4  }
0x10a: {  	v14 =	vshll.u32 v3, $0x2  }
0x10b: {  	v3 =	vand.u32 $0x7, v3;
	v4 =	vand.u32 $0xFFFFFFE0, v14  }
0x10c: {  	v3 =	vor.u32 v3, v4  }
0x10d: {  	v4 =	vperm.xlane v3, v0;
	_ =	sdelay $0x1  }
0x10e: {  	v4 =	vadd.s32 v1, v4;
	_ =	sdelay $0x1  }
0x10f: {  	v3 =	vperm.xlane v3, v2;
	_ =	sdelay $0x1  }
0x110: {  	s2 =	simm.s32 $0xC800;
	v3 =	vadd.s32 v1, v3  }
0x111: {  	[tilespmem:s2], [sflag:$0x2] =	stream.indirect_vreg.gather [hbm4b:s1+s4], $0x80, v4, vm0, $0xb8;
	[tilespmem:$0x10800] =	vst v63  }
0x112: {  	s7 =	simm.s32 $0xD000  }
0x113: {  	[tilespmem:s7], [sflag:$0x2] =	stream.indirect_vreg.gather [hbm4b:s5+s4], $0x80, v4, vm0, $0xb8;
	[tilespmem:$0x10800] =	vst v63  }
0x114: {  	s18 =	simm.s32 $0xD800  }
0x115: {  	[tilespmem:s18], [sflag:$0x2] =	stream.indirect_vreg.gather [hbm4b:s1+s4], $0x80, v3, vm0, $0xb8;
	[tilespmem:$0x10800] =	vst v63  }
0x116: {  	s17 =	simm.s32 $0xE000  }
0x117: {  	[tilespmem:s17], [sflag:$0x2] =	stream.indirect_vreg.gather [hbm4b:s5+s4], $0x80, v3, vm0, $0xb8;
	[tilespmem:$0x10800] =	vst v63  }
0x118: {  	v3 =	vld [tilespmem:$0x1B0];
	_ =	sdelay $0x4  }
0x119: {  	v15 =	vshll.u32 v3, $0x2  }
0x11a: {  	v3 =	vand.u32 $0x7, v3;
	v4 =	vand.u32 $0xFFFFFFE0, v15  }
0x11b: {  	v3 =	vor.u32 v3, v4  }
0x11c: {  	v4 =	vperm.xlane v3, v0;
	_ =	sdelay $0x1  }
0x11d: {  	v4 =	vadd.s32 v1, v4;
	_ =	sdelay $0x1  }
0x11e: {  	v3 =	vperm.xlane v3, v2;
	_ =	sdelay $0x1  }
0x11f: {  	s17 =	simm.s32 $0xE800;
	v3 =	vadd.s32 v1, v3  }
0x120: {  	[tilespmem:s17], [sflag:$0x2] =	stream.indirect_vreg.gather [hbm4b:s1+s4], $0x80, v4, vm0, $0xb8;
	[tilespmem:$0x10800] =	vst v63  }
0x121: {  	s10 =	simm.s32 $0xF000  }
0x122: {  	[tilespmem:s10], [sflag:$0x2] =	stream.indirect_vreg.gather [hbm4b:s5+s4], $0x80, v4, vm0, $0xb8;
	[tilespmem:$0x10800] =	vst v63  }
0x123: {  	s11 =	simm.s32 $0xF800  }
0x124: {  	[tilespmem:s11], [sflag:$0x2] =	stream.indirect_vreg.gather [hbm4b:s1+s4], $0x80, v3, vm0, $0xb8;
	[tilespmem:$0x10800] =	vst v63  }
0x125: {  	s12 =	simm.s32 $0x10000  }
0x126: {  	[tilespmem:s12], [sflag:$0x2] =	stream.indirect_vreg.gather [hbm4b:s5+s4], $0x80, v3, vm0, $0xb8;
	[tilespmem:$0x10800] =	vst v63  }
0x127: {  	s20 =	rddreg [dreg:$0x8]  }
0x128: {  	[hbm4b:s20+s4] =	stream.linear.scatter [tilespmem:s9], [sflag:$0x3], $0x8000, $0x38;
	[tilespmem:$0x10800] =	vst v63  }
0x129: {  	_ =	swait.ge [sflag:s8], $0x8000  }
0x12a: {  	[sflag:s8] =	ssyncset.done $0x0  }
0x12b: {  	[sflag:s8] =	ssyncadd.s32 $0xFFFF8000  }
0x12c: {  	_ =	swait.ge [sflag:s19], $0x8000  }
0x12d: {  	[sflag:s19] =	ssyncset.done $0x0  }
0x12e: {  	[sflag:s19] =	ssyncadd.s32 $0xFFFF8000  }
0x12f: {  	v3 =	vld [tilespmem:$0x200];
	_ =	sdelay $0x4  }
0x130: {  	v16 =	vshll.u32 v3, $0x2  }
0x131: {  	v3 =	vand.u32 $0x7, v3;
	v4 =	vand.u32 $0xFFFFFFE0, v16  }
0x132: {  	v3 =	vor.u32 v3, v4  }
0x133: {  	v4 =	vperm.xlane v3, v0;
	_ =	sdelay $0x1  }
0x134: {  	v4 =	vadd.s32 v1, v4;
	_ =	sdelay $0x1  }
0x135: {  	v3 =	vperm.xlane v3, v2;
	_ =	sdelay $0x1  }
0x136: {  	v3 =	vadd.s32 v1, v3  }
0x137: {  	[tilespmem:s9], [sflag:$0x1] =	stream.indirect_vreg.gather [hbm4b:s1+s4], $0x80, v4, vm0, $0xb8;
	[tilespmem:$0x10800] =	vst v63  }
0x138: {  	s20 =	simm.s32 $0x1000  }
0x139: {  	[tilespmem:s20], [sflag:$0x1] =	stream.indirect_vreg.gather [hbm4b:s5+s4], $0x80, v4, vm0, $0xb8;
	[tilespmem:$0x10800] =	vst v63  }
0x13a: {  	s20 =	simm.s32 $0x1800  }
0x13b: {  	[tilespmem:s20], [sflag:$0x1] =	stream.indirect_vreg.gather [hbm4b:s1+s4], $0x80, v3, vm0, $0xb8;
	[tilespmem:$0x10800] =	vst v63  }
0x13c: {  	s20 =	simm.s32 $0x2000  }
0x13d: {  	[tilespmem:s20], [sflag:$0x1] =	stream.indirect_vreg.gather [hbm4b:s5+s4], $0x80, v3, vm0, $0xb8;
	[tilespmem:$0x10800] =	vst v63  }
0x13e: {  	v3 =	vld [tilespmem:$0x210];
	_ =	sdelay $0x4  }
0x13f: {  	v17 =	vshll.u32 v3, $0x2  }
0x140: {  	v3 =	vand.u32 $0x7, v3;
	v4 =	vand.u32 $0xFFFFFFE0, v17  }
0x141: {  	v3 =	vor.u32 v3, v4  }
0x142: {  	v4 =	vperm.xlane v3, v0;
	_ =	sdelay $0x1  }
0x143: {  	v4 =	vadd.s32 v1, v4;
	_ =	sdelay $0x1  }
0x144: {  	v3 =	vperm.xlane v3, v2;
	_ =	sdelay $0x1  }
0x145: {  	s20 =	simm.s32 $0x2800;
	v3 =	vadd.s32 v1, v3  }
0x146: {  	[tilespmem:s20], [sflag:$0x1] =	stream.indirect_vreg.gather [hbm4b:s1+s4], $0x80, v4, vm0, $0xb8;
	[tilespmem:$0x10800] =	vst v63  }
0x147: {  	s20 =	simm.s32 $0x3000  }
0x148: {  	[tilespmem:s20], [sflag:$0x1] =	stream.indirect_vreg.gather [hbm4b:s5+s4], $0x80, v4, vm0, $0xb8;
	[tilespmem:$0x10800] =	vst v63  }
0x149: {  	s20 =	simm.s32 $0x3800  }
0x14a: {  	[tilespmem:s20], [sflag:$0x1] =	stream.indirect_vreg.gather [hbm4b:s1+s4], $0x80, v3, vm0, $0xb8;
	[tilespmem:$0x10800] =	vst v63  }
0x14b: {  	s20 =	simm.s32 $0x4000  }
0x14c: {  	[tilespmem:s20], [sflag:$0x1] =	stream.indirect_vreg.gather [hbm4b:s5+s4], $0x80, v3, vm0, $0xb8;
	[tilespmem:$0x10800] =	vst v63  }
0x14d: {  	v3 =	vld [tilespmem:$0x220];
	_ =	sdelay $0x4  }
0x14e: {  	v18 =	vshll.u32 v3, $0x2  }
0x14f: {  	v3 =	vand.u32 $0x7, v3;
	v4 =	vand.u32 $0xFFFFFFE0, v18  }
0x150: {  	v3 =	vor.u32 v3, v4  }
0x151: {  	v4 =	vperm.xlane v3, v0;
	_ =	sdelay $0x1  }
0x152: {  	v4 =	vadd.s32 v1, v4;
	_ =	sdelay $0x1  }
0x153: {  	v3 =	vperm.xlane v3, v2;
	_ =	sdelay $0x1  }
0x154: {  	s20 =	simm.s32 $0x4800;
	v3 =	vadd.s32 v1, v3  }
0x155: {  	[tilespmem:s20], [sflag:$0x1] =	stream.indirect_vreg.gather [hbm4b:s1+s4], $0x80, v4, vm0, $0xb8;
	[tilespmem:$0x10800] =	vst v63  }
0x156: {  	s20 =	simm.s32 $0x5000  }
0x157: {  	[tilespmem:s20], [sflag:$0x1] =	stream.indirect_vreg.gather [hbm4b:s5+s4], $0x80, v4, vm0, $0xb8;
	[tilespmem:$0x10800] =	vst v63  }
0x158: {  	s21 =	simm.s32 $0x5800  }
0x159: {  	[tilespmem:s21], [sflag:$0x1] =	stream.indirect_vreg.gather [hbm4b:s1+s4], $0x80, v3, vm0, $0xb8;
	[tilespmem:$0x10800] =	vst v63  }
0x15a: {  	_ = 	snop  }
0x15b: {  	[tilespmem:s22], [sflag:$0x1] =	stream.indirect_vreg.gather [hbm4b:s5+s4], $0x80, v3, vm0, $0xb8;
	[tilespmem:$0x10800] =	vst v63  }
0x15c: {  	v3 =	vld [tilespmem:$0x230];
	_ =	sdelay $0x4  }
0x15d: {  	v19 =	vshll.u32 v3, $0x2  }
0x15e: {  	v3 =	vand.u32 $0x7, v3;
	v4 =	vand.u32 $0xFFFFFFE0, v19  }
0x15f: {  	v3 =	vor.u32 v3, v4  }
0x160: {  	v4 =	vperm.xlane v3, v0;
	_ =	sdelay $0x1  }
0x161: {  	v4 =	vadd.s32 v1, v4;
	_ =	sdelay $0x1  }
0x162: {  	v3 =	vperm.xlane v3, v2;
	_ =	sdelay $0x1  }
0x163: {  	v3 =	vadd.s32 v1, v3  }
0x164: {  	[tilespmem:s13], [sflag:$0x1] =	stream.indirect_vreg.gather [hbm4b:s1+s4], $0x80, v4, vm0, $0xb8;
	[tilespmem:$0x10800] =	vst v63  }
0x165: {  	_ = 	snop  }
0x166: {  	[tilespmem:s14], [sflag:$0x1] =	stream.indirect_vreg.gather [hbm4b:s5+s4], $0x80, v4, vm0, $0xb8;
	[tilespmem:$0x10800] =	vst v63  }
0x167: {  	_ = 	snop  }
0x168: {  	[tilespmem:s16], [sflag:$0x1] =	stream.indirect_vreg.gather [hbm4b:s1+s4], $0x80, v3, vm0, $0xb8;
	[tilespmem:$0x10800] =	vst v63  }
0x169: {  	s31 =	simm.s32 $0x8000  }
0x16a: {  	[tilespmem:s31], [sflag:$0x1] =	stream.indirect_vreg.gather [hbm4b:s5+s4], $0x80, v3, vm0, $0xb8;
	[tilespmem:$0x10800] =	vst v63  }
0x16b: {  	s22 =	rddreg [dreg:$0x9]  }
0x16c: {  	[hbm4b:s22+s4] =	stream.linear.scatter [tilespmem:s26], [sflag:$0x3], $0x8000, $0x38;
	[tilespmem:$0x10800] =	vst v63  }
0x16d: {  	_ =	swait.ge [sflag:s8], $0x8000  }
0x16e: {  	[sflag:s8] =	ssyncset.done $0x0  }
0x16f: {  	[sflag:s8] =	ssyncadd.s32 $0xFFFF8000  }
0x170: {  	_ =	swait.ge [sflag:s25], $0x8000  }
0x171: {  	[sflag:s25] =	ssyncset.done $0x0  }
0x172: {  	[sflag:s25] =	ssyncadd.s32 $0xFFFF8000  }
0x173: {  	v3 =	vld [tilespmem:$0x280];
	_ =	sdelay $0x4  }
0x174: {  	v20 =	vshll.u32 v3, $0x2  }
0x175: {  	v3 =	vand.u32 $0x7, v3;
	v4 =	vand.u32 $0xFFFFFFE0, v20  }
0x176: {  	v3 =	vor.u32 v3, v4  }
0x177: {  	v4 =	vperm.xlane v3, v0;
	_ =	sdelay $0x1  }
0x178: {  	v4 =	vadd.s32 v1, v4;
	_ =	sdelay $0x1  }
0x179: {  	v3 =	vperm.xlane v3, v2;
	_ =	sdelay $0x1  }
0x17a: {  	v3 =	vadd.s32 v1, v3  }
0x17b: {  	[tilespmem:s26], [sflag:$0x2] =	stream.indirect_vreg.gather [hbm4b:s1+s4], $0x80, v4, vm0, $0xb8;
	[tilespmem:$0x10800] =	vst v63  }
0x17c: {  	s23 =	simm.s32 $0x9000  }
0x17d: {  	[tilespmem:s23], [sflag:$0x2] =	stream.indirect_vreg.gather [hbm4b:s5+s4], $0x80, v4, vm0, $0xb8;
	[tilespmem:$0x10800] =	vst v63  }
0x17e: {  	s24 =	simm.s32 $0x9800  }
0x17f: {  	[tilespmem:s24], [sflag:$0x2] =	stream.indirect_vreg.gather [hbm4b:s1+s4], $0x80, v3, vm0, $0xb8;
	[tilespmem:$0x10800] =	vst v63  }
0x180: {  	s30 =	simm.s32 $0xA000  }
0x181: {  	[tilespmem:s30], [sflag:$0x2] =	stream.indirect_vreg.gather [hbm4b:s5+s4], $0x80, v3, vm0, $0xb8;
	[tilespmem:$0x10800] =	vst v63  }
0x182: {  	v3 =	vld [tilespmem:$0x290];
	_ =	sdelay $0x4  }
0x183: {  	v21 =	vshll.u32 v3, $0x2  }
0x184: {  	v3 =	vand.u32 $0x7, v3;
	v4 =	vand.u32 $0xFFFFFFE0, v21  }
0x185: {  	v3 =	vor.u32 v3, v4  }
0x186: {  	v4 =	vperm.xlane v3, v0;
	_ =	sdelay $0x1  }
0x187: {  	v4 =	vadd.s32 v1, v4;
	_ =	sdelay $0x1  }
0x188: {  	v3 =	vperm.xlane v3, v2;
	_ =	sdelay $0x1  }
0x189: {  	s22 =	simm.s32 $0xA800;
	v3 =	vadd.s32 v1, v3  }
0x18a: {  	[tilespmem:s22], [sflag:$0x2] =	stream.indirect_vreg.gather [hbm4b:s1+s4], $0x80, v4, vm0, $0xb8;
	[tilespmem:$0x10800] =	vst v63  }
0x18b: {  	_ = 	snop  }
0x18c: {  	[tilespmem:s15], [sflag:$0x2] =	stream.indirect_vreg.gather [hbm4b:s5+s4], $0x80, v4, vm0, $0xb8;
	[tilespmem:$0x10800] =	vst v63  }
0x18d: {  	_ = 	snop  }
0x18e: {  	[tilespmem:s0], [sflag:$0x2] =	stream.indirect_vreg.gather [hbm4b:s1+s4], $0x80, v3, vm0, $0xb8;
	[tilespmem:$0x10800] =	vst v63  }
0x18f: {  	s28 =	simm.s32 $0xC000  }
0x190: {  	[tilespmem:s28], [sflag:$0x2] =	stream.indirect_vreg.gather [hbm4b:s5+s4], $0x80, v3, vm0, $0xb8;
	[tilespmem:$0x10800] =	vst v63  }
0x191: {  	v3 =	vld [tilespmem:$0x2A0];
	_ =	sdelay $0x4  }
0x192: {  	v22 =	vshll.u32 v3, $0x2  }
0x193: {  	v3 =	vand.u32 $0x7, v3;
	v4 =	vand.u32 $0xFFFFFFE0, v22  }
0x194: {  	v3 =	vor.u32 v3, v4  }
0x195: {  	v4 =	vperm.xlane v3, v0;
	_ =	sdelay $0x1  }
0x196: {  	v4 =	vadd.s32 v1, v4;
	_ =	sdelay $0x1  }
0x197: {  	v3 =	vperm.xlane v3, v2;
	_ =	sdelay $0x1  }
0x198: {  	v3 =	vadd.s32 v1, v3  }
0x199: {  	[tilespmem:s2], [sflag:$0x2] =	stream.indirect_vreg.gather [hbm4b:s1+s4], $0x80, v4, vm0, $0xb8;
	[tilespmem:$0x10800] =	vst v63  }
0x19a: {  	_ = 	snop  }
0x19b: {  	[tilespmem:s7], [sflag:$0x2] =	stream.indirect_vreg.gather [hbm4b:s5+s4], $0x80, v4, vm0, $0xb8;
	[tilespmem:$0x10800] =	vst v63  }
0x19c: {  	_ = 	snop  }
0x19d: {  	[tilespmem:s18], [sflag:$0x2] =	stream.indirect_vreg.gather [hbm4b:s1+s4], $0x80, v3, vm0, $0xb8;
	[tilespmem:$0x10800] =	vst v63  }
0x19e: {  	s29 =	simm.s32 $0xE000  }
0x19f: {  	[tilespmem:s29], [sflag:$0x2] =	stream.indirect_vreg.gather [hbm4b:s5+s4], $0x80, v3, vm0, $0xb8;
	[tilespmem:$0x10800] =	vst v63  }
0x1a0: {  	v3 =	vld [tilespmem:$0x2B0];
	_ =	sdelay $0x4  }
0x1a1: {  	v23 =	vshll.u32 v3, $0x2  }
0x1a2: {  	v3 =	vand.u32 $0x7, v3;
	v4 =	vand.u32 $0xFFFFFFE0, v23  }
0x1a3: {  	v3 =	vor.u32 v3, v4  }
0x1a4: {  	v4 =	vperm.xlane v3, v0;
	_ =	sdelay $0x1  }
0x1a5: {  	v4 =	vadd.s32 v1, v4;
	_ =	sdelay $0x1  }
0x1a6: {  	v3 =	vperm.xlane v3, v2;
	_ =	sdelay $0x1  }
0x1a7: {  	v3 =	vadd.s32 v1, v3  }
0x1a8: {  	[tilespmem:s17], [sflag:$0x2] =	stream.indirect_vreg.gather [hbm4b:s1+s4], $0x80, v4, vm0, $0xb8;
	[tilespmem:$0x10800] =	vst v63  }
0x1a9: {  	_ = 	snop  }
0x1aa: {  	[tilespmem:s10], [sflag:$0x2] =	stream.indirect_vreg.gather [hbm4b:s5+s4], $0x80, v4, vm0, $0xb8;
	[tilespmem:$0x10800] =	vst v63  }
0x1ab: {  	_ = 	snop  }
0x1ac: {  	[tilespmem:s11], [sflag:$0x2] =	stream.indirect_vreg.gather [hbm4b:s1+s4], $0x80, v3, vm0, $0xb8;
	[tilespmem:$0x10800] =	vst v63  }
0x1ad: {  	s12 =	simm.s32 $0x10000  }
0x1ae: {  	[tilespmem:s12], [sflag:$0x2] =	stream.indirect_vreg.gather [hbm4b:s5+s4], $0x80, v3, vm0, $0xb8;
	[tilespmem:$0x10800] =	vst v63  }
0x1af: {  	s28 =	rddreg [dreg:$0xa]  }
0x1b0: {  	[hbm4b:s28+s4] =	stream.linear.scatter [tilespmem:s9], [sflag:$0x3], $0x8000, $0x38;
	[tilespmem:$0x10800] =	vst v63  }
0x1b1: {  	_ =	swait.ge [sflag:s8], $0x8000  }
0x1b2: {  	[sflag:s8] =	ssyncset.done $0x0  }
0x1b3: {  	[sflag:s8] =	ssyncadd.s32 $0xFFFF8000  }
0x1b4: {  	_ =	swait.ge [sflag:s19], $0x8000  }
0x1b5: {  	[sflag:s19] =	ssyncset.done $0x0  }
0x1b6: {  	[sflag:s19] =	ssyncadd.s32 $0xFFFF8000  }
0x1b7: {  	v3 =	vld [tilespmem:$0x300];
	_ =	sdelay $0x4  }
0x1b8: {  	v24 =	vshll.u32 v3, $0x2  }
0x1b9: {  	v3 =	vand.u32 $0x7, v3;
	v4 =	vand.u32 $0xFFFFFFE0, v24  }
0x1ba: {  	v3 =	vor.u32 v3, v4  }
0x1bb: {  	v4 =	vperm.xlane v3, v0;
	_ =	sdelay $0x1  }
0x1bc: {  	v4 =	vadd.s32 v1, v4;
	_ =	sdelay $0x1  }
0x1bd: {  	v3 =	vperm.xlane v3, v2;
	_ =	sdelay $0x1  }
0x1be: {  	v3 =	vadd.s32 v1, v3  }
0x1bf: {  	[tilespmem:s9], [sflag:$0x1] =	stream.indirect_vreg.gather [hbm4b:s1+s4], $0x80, v4, vm0, $0xb8;
	[tilespmem:$0x10800] =	vst v63  }
0x1c0: {  	s29 =	simm.s32 $0x1000  }
0x1c1: {  	[tilespmem:s29], [sflag:$0x1] =	stream.indirect_vreg.gather [hbm4b:s5+s4], $0x80, v4, vm0, $0xb8;
	[tilespmem:$0x10800] =	vst v63  }
0x1c2: {  	s28 =	simm.s32 $0x1800  }
0x1c3: {  	[tilespmem:s28], [sflag:$0x1] =	stream.indirect_vreg.gather [hbm4b:s1+s4], $0x80, v3, vm0, $0xb8;
	[tilespmem:$0x10800] =	vst v63  }
0x1c4: {  	s29 =	simm.s32 $0x2000  }
0x1c5: {  	[tilespmem:s29], [sflag:$0x1] =	stream.indirect_vreg.gather [hbm4b:s5+s4], $0x80, v3, vm0, $0xb8;
	[tilespmem:$0x10800] =	vst v63  }
0x1c6: {  	v3 =	vld [tilespmem:$0x310];
	_ =	sdelay $0x4  }
0x1c7: {  	v25 =	vshll.u32 v3, $0x2  }
0x1c8: {  	v3 =	vand.u32 $0x7, v3;
	v4 =	vand.u32 $0xFFFFFFE0, v25  }
0x1c9: {  	v3 =	vor.u32 v3, v4  }
0x1ca: {  	v4 =	vperm.xlane v3, v0;
	_ =	sdelay $0x1  }
0x1cb: {  	v4 =	vadd.s32 v1, v4;
	_ =	sdelay $0x1  }
0x1cc: {  	v3 =	vperm.xlane v3, v2;
	_ =	sdelay $0x1  }
0x1cd: {  	s28 =	simm.s32 $0x2800;
	v3 =	vadd.s32 v1, v3  }
0x1ce: {  	[tilespmem:s28], [sflag:$0x1] =	stream.indirect_vreg.gather [hbm4b:s1+s4], $0x80, v4, vm0, $0xb8;
	[tilespmem:$0x10800] =	vst v63  }
0x1cf: {  	s29 =	simm.s32 $0x3000  }
0x1d0: {  	[tilespmem:s29], [sflag:$0x1] =	stream.indirect_vreg.gather [hbm4b:s5+s4], $0x80, v4, vm0, $0xb8;
	[tilespmem:$0x10800] =	vst v63  }
0x1d1: {  	s28 =	simm.s32 $0x3800  }
0x1d2: {  	[tilespmem:s28], [sflag:$0x1] =	stream.indirect_vreg.gather [hbm4b:s1+s4], $0x80, v3, vm0, $0xb8;
	[tilespmem:$0x10800] =	vst v63  }
0x1d3: {  	s29 =	simm.s32 $0x4000  }
0x1d4: {  	[tilespmem:s29], [sflag:$0x1] =	stream.indirect_vreg.gather [hbm4b:s5+s4], $0x80, v3, vm0, $0xb8;
	[tilespmem:$0x10800] =	vst v63  }
0x1d5: {  	v3 =	vld [tilespmem:$0x320];
	_ =	sdelay $0x4  }
0x1d6: {  	v26 =	vshll.u32 v3, $0x2  }
0x1d7: {  	v3 =	vand.u32 $0x7, v3;
	v4 =	vand.u32 $0xFFFFFFE0, v26  }
0x1d8: {  	v3 =	vor.u32 v3, v4  }
0x1d9: {  	v4 =	vperm.xlane v3, v0;
	_ =	sdelay $0x1  }
0x1da: {  	v4 =	vadd.s32 v1, v4;
	_ =	sdelay $0x1  }
0x1db: {  	v3 =	vperm.xlane v3, v2;
	_ =	sdelay $0x1  }
0x1dc: {  	s28 =	simm.s32 $0x4800;
	v3 =	vadd.s32 v1, v3  }
0x1dd: {  	[tilespmem:s28], [sflag:$0x1] =	stream.indirect_vreg.gather [hbm4b:s1+s4], $0x80, v4, vm0, $0xb8;
	[tilespmem:$0x10800] =	vst v63  }
0x1de: {  	s29 =	simm.s32 $0x5000  }
0x1df: {  	[tilespmem:s29], [sflag:$0x1] =	stream.indirect_vreg.gather [hbm4b:s5+s4], $0x80, v4, vm0, $0xb8;
	[tilespmem:$0x10800] =	vst v63  }
0x1e0: {  	s28 =	simm.s32 $0x5800  }
0x1e1: {  	[tilespmem:s28], [sflag:$0x1] =	stream.indirect_vreg.gather [hbm4b:s1+s4], $0x80, v3, vm0, $0xb8;
	[tilespmem:$0x10800] =	vst v63  }
0x1e2: {  	s21 =	simm.s32 $0x6000  }
0x1e3: {  	[tilespmem:s21], [sflag:$0x1] =	stream.indirect_vreg.gather [hbm4b:s5+s4], $0x80, v3, vm0, $0xb8;
	[tilespmem:$0x10800] =	vst v63  }
0x1e4: {  	v3 =	vld [tilespmem:$0x330];
	_ =	sdelay $0x4  }
0x1e5: {  	v27 =	vshll.u32 v3, $0x2  }
0x1e6: {  	v3 =	vand.u32 $0x7, v3;
	v4 =	vand.u32 $0xFFFFFFE0, v27  }
0x1e7: {  	v3 =	vor.u32 v3, v4  }
0x1e8: {  	v4 =	vperm.xlane v3, v0;
	_ =	sdelay $0x1  }
0x1e9: {  	v4 =	vadd.s32 v1, v4;
	_ =	sdelay $0x1  }
0x1ea: {  	v3 =	vperm.xlane v3, v2;
	_ =	sdelay $0x1  }
0x1eb: {  	s13 =	simm.s32 $0x6800;
	v3 =	vadd.s32 v1, v3  }
0x1ec: {  	[tilespmem:s13], [sflag:$0x1] =	stream.indirect_vreg.gather [hbm4b:s1+s4], $0x80, v4, vm0, $0xb8;
	[tilespmem:$0x10800] =	vst v63  }
0x1ed: {  	s14 =	simm.s32 $0x7000  }
0x1ee: {  	[tilespmem:s14], [sflag:$0x1] =	stream.indirect_vreg.gather [hbm4b:s5+s4], $0x80, v4, vm0, $0xb8;
	[tilespmem:$0x10800] =	vst v63  }
0x1ef: {  	s16 =	simm.s32 $0x7800  }
0x1f0: {  	[tilespmem:s16], [sflag:$0x1] =	stream.indirect_vreg.gather [hbm4b:s1+s4], $0x80, v3, vm0, $0xb8;
	[tilespmem:$0x10800] =	vst v63  }
0x1f1: {  	s14 =	simm.s32 $0x8000  }
0x1f2: {  	[tilespmem:s14], [sflag:$0x1] =	stream.indirect_vreg.gather [hbm4b:s5+s4], $0x80, v3, vm0, $0xb8;
	[tilespmem:$0x10800] =	vst v63  }
0x1f3: {  	s29 =	rddreg [dreg:$0xb]  }
0x1f4: {  	[hbm4b:s29+s4] =	stream.linear.scatter [tilespmem:s26], [sflag:$0x3], $0x8000, $0x38;
	[tilespmem:$0x10800] =	vst v63  }
0x1f5: {  	_ =	swait.ge [sflag:s8], $0x8000  }
0x1f6: {  	[sflag:s8] =	ssyncset.done $0x0  }
0x1f7: {  	[sflag:s8] =	ssyncadd.s32 $0xFFFF8000  }
0x1f8: {  	_ =	swait.ge [sflag:s25], $0x8000  }
0x1f9: {  	[sflag:s25] =	ssyncset.done $0x0  }
0x1fa: {  	[sflag:s25] =	ssyncadd.s32 $0xFFFF8000  }
0x1fb: {  	v3 =	vld [tilespmem:$0x380];
	_ =	sdelay $0x4  }
0x1fc: {  	v28 =	vshll.u32 v3, $0x2  }
0x1fd: {  	v3 =	vand.u32 $0x7, v3;
	v4 =	vand.u32 $0xFFFFFFE0, v28  }
0x1fe: {  	v3 =	vor.u32 v3, v4  }
0x1ff: {  	v4 =	vperm.xlane v3, v0;
	_ =	sdelay $0x1  }
0x200: {  	v4 =	vadd.s32 v1, v4;
	_ =	sdelay $0x1  }
0x201: {  	v3 =	vperm.xlane v3, v2;
	_ =	sdelay $0x1  }
0x202: {  	v3 =	vadd.s32 v1, v3  }
0x203: {  	[tilespmem:s26], [sflag:$0x2] =	stream.indirect_vreg.gather [hbm4b:s1+s4], $0x80, v4, vm0, $0xb8;
	[tilespmem:$0x10800] =	vst v63  }
0x204: {  	s23 =	simm.s32 $0x9000  }
0x205: {  	[tilespmem:s23], [sflag:$0x2] =	stream.indirect_vreg.gather [hbm4b:s5+s4], $0x80, v4, vm0, $0xb8;
	[tilespmem:$0x10800] =	vst v63  }
0x206: {  	s24 =	simm.s32 $0x9800  }
0x207: {  	[tilespmem:s24], [sflag:$0x2] =	stream.indirect_vreg.gather [hbm4b:s1+s4], $0x80, v3, vm0, $0xb8;
	[tilespmem:$0x10800] =	vst v63  }
0x208: {  	s16 =	simm.s32 $0xA000  }
0x209: {  	[tilespmem:s16], [sflag:$0x2] =	stream.indirect_vreg.gather [hbm4b:s5+s4], $0x80, v3, vm0, $0xb8;
	[tilespmem:$0x10800] =	vst v63  }
0x20a: {  	v3 =	vld [tilespmem:$0x390];
	_ =	sdelay $0x4  }
0x20b: {  	v29 =	vshll.u32 v3, $0x2  }
0x20c: {  	v3 =	vand.u32 $0x7, v3;
	v4 =	vand.u32 $0xFFFFFFE0, v29  }
0x20d: {  	v3 =	vor.u32 v3, v4  }
0x20e: {  	v4 =	vperm.xlane v3, v0;
	_ =	sdelay $0x1  }
0x20f: {  	v4 =	vadd.s32 v1, v4;
	_ =	sdelay $0x1  }
0x210: {  	v3 =	vperm.xlane v3, v2;
	_ =	sdelay $0x1  }
0x211: {  	s31 =	simm.s32 $0xA800;
	v3 =	vadd.s32 v1, v3  }
0x212: {  	[tilespmem:s31], [sflag:$0x2] =	stream.indirect_vreg.gather [hbm4b:s1+s4], $0x80, v4, vm0, $0xb8;
	[tilespmem:$0x10800] =	vst v63  }
0x213: {  	s22 =	simm.s32 $0xB000  }
0x214: {  	[tilespmem:s22], [sflag:$0x2] =	stream.indirect_vreg.gather [hbm4b:s5+s4], $0x80, v4, vm0, $0xb8;
	[tilespmem:$0x10800] =	vst v63  }
0x215: {  	s30 =	simm.s32 $0xB800  }
0x216: {  	[tilespmem:s30], [sflag:$0x2] =	stream.indirect_vreg.gather [hbm4b:s1+s4], $0x80, v3, vm0, $0xb8;
	[tilespmem:$0x10800] =	vst v63  }
0x217: {  	s0 =	simm.s32 $0xC000  }
0x218: {  	[tilespmem:s0], [sflag:$0x2] =	stream.indirect_vreg.gather [hbm4b:s5+s4], $0x80, v3, vm0, $0xb8;
	[tilespmem:$0x10800] =	vst v63  }
0x219: {  	v3 =	vld [tilespmem:$0x3A0];
	_ =	sdelay $0x4  }
0x21a: {  	v30 =	vshll.u32 v3, $0x2  }
0x21b: {  	v3 =	vand.u32 $0x7, v3;
	v4 =	vand.u32 $0xFFFFFFE0, v30  }
0x21c: {  	v3 =	vor.u32 v3, v4  }
0x21d: {  	v4 =	vperm.xlane v3, v0;
	_ =	sdelay $0x1  }
0x21e: {  	v4 =	vadd.s32 v1, v4;
	_ =	sdelay $0x1  }
0x21f: {  	v3 =	vperm.xlane v3, v2;
	_ =	sdelay $0x1  }
0x220: {  	s2 =	simm.s32 $0xC800;
	v3 =	vadd.s32 v1, v3  }
0x221: {  	[tilespmem:s2], [sflag:$0x2] =	stream.indirect_vreg.gather [hbm4b:s1+s4], $0x80, v4, vm0, $0xb8;
	[tilespmem:$0x10800] =	vst v63  }
0x222: {  	s7 =	simm.s32 $0xD000  }
0x223: {  	[tilespmem:s7], [sflag:$0x2] =	stream.indirect_vreg.gather [hbm4b:s5+s4], $0x80, v4, vm0, $0xb8;
	[tilespmem:$0x10800] =	vst v63  }
0x224: {  	s15 =	simm.s32 $0xD800  }
0x225: {  	[tilespmem:s15], [sflag:$0x2] =	stream.indirect_vreg.gather [hbm4b:s1+s4], $0x80, v3, vm0, $0xb8;
	[tilespmem:$0x10800] =	vst v63  }
0x226: {  	s18 =	simm.s32 $0xE000  }
0x227: {  	[tilespmem:s18], [sflag:$0x2] =	stream.indirect_vreg.gather [hbm4b:s5+s4], $0x80, v3, vm0, $0xb8;
	[tilespmem:$0x10800] =	vst v63  }
0x228: {  	v3 =	vld [tilespmem:$0x3B0];
	_ =	sdelay $0x4  }
0x229: {  	v31 =	vshll.u32 v3, $0x2  }
0x22a: {  	v3 =	vand.u32 $0x7, v3;
	v4 =	vand.u32 $0xFFFFFFE0, v31  }
0x22b: {  	v3 =	vor.u32 v3, v4  }
0x22c: {  	v4 =	vperm.xlane v3, v0;
	_ =	sdelay $0x1  }
0x22d: {  	v4 =	vadd.s32 v1, v4;
	_ =	sdelay $0x1  }
0x22e: {  	v3 =	vperm.xlane v3, v2;
	_ =	sdelay $0x1  }
0x22f: {  	s17 =	simm.s32 $0xE800;
	v3 =	vadd.s32 v1, v3  }
0x230: {  	[tilespmem:s17], [sflag:$0x2] =	stream.indirect_vreg.gather [hbm4b:s1+s4], $0x80, v4, vm0, $0xb8;
	[tilespmem:$0x10800] =	vst v63  }
0x231: {  	s10 =	simm.s32 $0xF000  }
0x232: {  	[tilespmem:s10], [sflag:$0x2] =	stream.indirect_vreg.gather [hbm4b:s5+s4], $0x80, v4, vm0, $0xb8;
	[tilespmem:$0x10800] =	vst v63  }
0x233: {  	s11 =	simm.s32 $0xF800  }
0x234: {  	[tilespmem:s11], [sflag:$0x2] =	stream.indirect_vreg.gather [hbm4b:s1+s4], $0x80, v3, vm0, $0xb8;
	[tilespmem:$0x10800] =	vst v63  }
0x235: {  	s12 =	simm.s32 $0x10000  }
0x236: {  	[tilespmem:s12], [sflag:$0x2] =	stream.indirect_vreg.gather [hbm4b:s5+s4], $0x80, v3, vm0, $0xb8;
	[tilespmem:$0x10800] =	vst v63  }
0x237: {  	s17 =	rddreg [dreg:$0xc]  }
0x238: {  	[hbm4b:s17+s4] =	stream.linear.scatter [tilespmem:s9], [sflag:$0x3], $0x8000, $0x38;
	[tilespmem:$0x10800] =	vst v63  }
0x239: {  	_ =	swait.ge [sflag:s8], $0x8000  }
0x23a: {  	[sflag:s8] =	ssyncset.done $0x0  }
0x23b: {  	[sflag:s8] =	ssyncadd.s32 $0xFFFF8000  }
0x23c: {  	_ =	swait.ge [sflag:s19], $0x8000  }
0x23d: {  	[sflag:s19] =	ssyncset.done $0x0  }
0x23e: {  	s18 =	rddreg [dreg:$0xd];
	[sflag:s19] =	ssyncadd.s32 $0xFFFF8000  }
0x23f: {  	[hbm4b:s18+s4] =	stream.linear.scatter [tilespmem:s26], [sflag:$0x3], $0x8000, $0x38;
	[tilespmem:$0x10800] =	vst v63  }
0x240: {  	_ =	swait.ge [sflag:s8], $0x8000  }
0x241: {  	[sflag:s8] =	ssyncset.done $0x0  }
0x242: {  	[sflag:s8] =	ssyncadd.s32 $0xFFFF8000  }
0x243: {  	v3 =	vld [tilespmem:$0x400];
	_ =	sdelay $0x4  }
0x244: {  	v32 =	vshll.u32 v3, $0x2  }
0x245: {  	v3 =	vand.u32 $0x7, v3;
	v4 =	vand.u32 $0xFFFFFFE0, v32  }
0x246: {  	v3 =	vor.u32 v3, v4  }
0x247: {  	v4 =	vperm.xlane v3, v0;
	_ =	sdelay $0x1  }
0x248: {  	v4 =	vadd.s32 v1, v4;
	_ =	sdelay $0x1  }
0x249: {  	v3 =	vperm.xlane v3, v2;
	_ =	sdelay $0x1  }
0x24a: {  	v3 =	vadd.s32 v1, v3  }
0x24b: {  	[tilespmem:s9], [sflag:$0x1] =	stream.indirect_vreg.gather [hbm4b:s3+s4], $0x80, v4, vm0, $0xb8;
	[tilespmem:$0x10800] =	vst v63  }
0x24c: {  	s20 =	simm.s32 $0x1000  }
0x24d: {  	[tilespmem:s20], [sflag:$0x1] =	stream.indirect_vreg.gather [hbm4b:s6+s4], $0x80, v4, vm0, $0xb8;
	[tilespmem:$0x10800] =	vst v63  }
0x24e: {  	s21 =	simm.s32 $0x1800  }
0x24f: {  	[tilespmem:s21], [sflag:$0x1] =	stream.indirect_vreg.gather [hbm4b:s3+s4], $0x80, v3, vm0, $0xb8;
	[tilespmem:$0x10800] =	vst v63  }
0x250: {  	s22 =	simm.s32 $0x2000  }
0x251: {  	[tilespmem:s22], [sflag:$0x1] =	stream.indirect_vreg.gather [hbm4b:s6+s4], $0x80, v3, vm0, $0xb8;
	[tilespmem:$0x10800] =	vst v63  }
0x252: {  	v3 =	vld [tilespmem:$0x410];
	_ =	sdelay $0x4  }
0x253: {  	v33 =	vshll.u32 v3, $0x2  }
0x254: {  	v3 =	vand.u32 $0x7, v3;
	v4 =	vand.u32 $0xFFFFFFE0, v33  }
0x255: {  	v3 =	vor.u32 v3, v4  }
0x256: {  	v4 =	vperm.xlane v3, v0;
	_ =	sdelay $0x1  }
0x257: {  	v4 =	vadd.s32 v1, v4;
	_ =	sdelay $0x1  }
0x258: {  	v3 =	vperm.xlane v3, v2;
	_ =	sdelay $0x1  }
0x259: {  	s23 =	simm.s32 $0x2800;
	v3 =	vadd.s32 v1, v3  }
0x25a: {  	[tilespmem:s23], [sflag:$0x1] =	stream.indirect_vreg.gather [hbm4b:s3+s4], $0x80, v4, vm0, $0xb8;
	[tilespmem:$0x10800] =	vst v63  }
0x25b: {  	s2 =	simm.s32 $0x3000  }
0x25c: {  	[tilespmem:s2], [sflag:$0x1] =	stream.indirect_vreg.gather [hbm4b:s6+s4], $0x80, v4, vm0, $0xb8;
	[tilespmem:$0x10800] =	vst v63  }
0x25d: {  	s7 =	simm.s32 $0x3800  }
0x25e: {  	[tilespmem:s7], [sflag:$0x1] =	stream.indirect_vreg.gather [hbm4b:s3+s4], $0x80, v3, vm0, $0xb8;
	[tilespmem:$0x10800] =	vst v63  }
0x25f: {  	s10 =	simm.s32 $0x4000  }
0x260: {  	[tilespmem:s10], [sflag:$0x1] =	stream.indirect_vreg.gather [hbm4b:s6+s4], $0x80, v3, vm0, $0xb8;
	[tilespmem:$0x10800] =	vst v63  }
0x261: {  	v3 =	vld [tilespmem:$0x420];
	_ =	sdelay $0x4  }
0x262: {  	v34 =	vshll.u32 v3, $0x2  }
0x263: {  	v3 =	vand.u32 $0x7, v3;
	v4 =	vand.u32 $0xFFFFFFE0, v34  }
0x264: {  	v3 =	vor.u32 v3, v4  }
0x265: {  	v4 =	vperm.xlane v3, v0;
	_ =	sdelay $0x1  }
0x266: {  	v4 =	vadd.s32 v1, v4;
	_ =	sdelay $0x1  }
0x267: {  	v3 =	vperm.xlane v3, v2;
	_ =	sdelay $0x1  }
0x268: {  	s11 =	simm.s32 $0x4800;
	v3 =	vadd.s32 v1, v3  }
0x269: {  	[tilespmem:s11], [sflag:$0x1] =	stream.indirect_vreg.gather [hbm4b:s3+s4], $0x80, v4, vm0, $0xb8;
	[tilespmem:$0x10800] =	vst v63  }
0x26a: {  	s12 =	simm.s32 $0x5000  }
0x26b: {  	[tilespmem:s12], [sflag:$0x1] =	stream.indirect_vreg.gather [hbm4b:s6+s4], $0x80, v4, vm0, $0xb8;
	[tilespmem:$0x10800] =	vst v63  }
0x26c: {  	s20 =	simm.s32 $0x5800  }
0x26d: {  	[tilespmem:s20], [sflag:$0x1] =	stream.indirect_vreg.gather [hbm4b:s3+s4], $0x80, v3, vm0, $0xb8;
	[tilespmem:$0x10800] =	vst v63  }
0x26e: {  	s23 =	simm.s32 $0x6000  }
0x26f: {  	[tilespmem:s23], [sflag:$0x1] =	stream.indirect_vreg.gather [hbm4b:s6+s4], $0x80, v3, vm0, $0xb8;
	[tilespmem:$0x10800] =	vst v63  }
0x270: {  	v3 =	vld [tilespmem:$0x430];
	_ =	sdelay $0x4  }
0x271: {  	v35 =	vshll.u32 v3, $0x2  }
0x272: {  	v3 =	vand.u32 $0x7, v3;
	v4 =	vand.u32 $0xFFFFFFE0, v35  }
0x273: {  	v3 =	vor.u32 v3, v4  }
0x274: {  	v4 =	vperm.xlane v3, v0;
	_ =	sdelay $0x1  }
0x275: {  	v4 =	vadd.s32 v1, v4;
	_ =	sdelay $0x1  }
0x276: {  	v3 =	vperm.xlane v3, v2;
	_ =	sdelay $0x1  }
0x277: {  	s2 =	simm.s32 $0x6800;
	v3 =	vadd.s32 v1, v3  }
0x278: {  	[tilespmem:s2], [sflag:$0x1] =	stream.indirect_vreg.gather [hbm4b:s3+s4], $0x80, v4, vm0, $0xb8;
	[tilespmem:$0x10800] =	vst v63  }
0x279: {  	s7 =	simm.s32 $0x7000  }
0x27a: {  	[tilespmem:s7], [sflag:$0x1] =	stream.indirect_vreg.gather [hbm4b:s6+s4], $0x80, v4, vm0, $0xb8;
	[tilespmem:$0x10800] =	vst v63  }
0x27b: {  	s20 =	simm.s32 $0x7800  }
0x27c: {  	[tilespmem:s20], [sflag:$0x1] =	stream.indirect_vreg.gather [hbm4b:s3+s4], $0x80, v3, vm0, $0xb8;
	[tilespmem:$0x10800] =	vst v63  }
0x27d: {  	s23 =	simm.s32 $0x8000  }
0x27e: {  	[tilespmem:s23], [sflag:$0x1] =	stream.indirect_vreg.gather [hbm4b:s6+s4], $0x80, v3, vm0, $0xb8;
	[tilespmem:$0x10800] =	vst v63  }
0x27f: {  	_ =	swait.ge [sflag:s25], $0x8000  }
0x280: {  	[sflag:s25] =	ssyncset.done $0x0  }
0x281: {  	[sflag:s25] =	ssyncadd.s32 $0xFFFF8000  }
0x282: {  	v3 =	vld [tilespmem:$0x480];
	_ =	sdelay $0x4  }
0x283: {  	v36 =	vshll.u32 v3, $0x2  }
0x284: {  	v3 =	vand.u32 $0x7, v3;
	v4 =	vand.u32 $0xFFFFFFE0, v36  }
0x285: {  	v3 =	vor.u32 v3, v4  }
0x286: {  	v4 =	vperm.xlane v3, v0;
	_ =	sdelay $0x1  }
0x287: {  	v4 =	vadd.s32 v1, v4;
	_ =	sdelay $0x1  }
0x288: {  	v3 =	vperm.xlane v3, v2;
	_ =	sdelay $0x1  }
0x289: {  	v3 =	vadd.s32 v1, v3  }
0x28a: {  	[tilespmem:s26], [sflag:$0x2] =	stream.indirect_vreg.gather [hbm4b:s3+s4], $0x80, v4, vm0, $0xb8;
	[tilespmem:$0x10800] =	vst v63  }
0x28b: {  	s20 =	simm.s32 $0x9000  }
0x28c: {  	[tilespmem:s20], [sflag:$0x2] =	stream.indirect_vreg.gather [hbm4b:s6+s4], $0x80, v4, vm0, $0xb8;
	[tilespmem:$0x10800] =	vst v63  }
0x28d: {  	s20 =	simm.s32 $0x9800  }
0x28e: {  	[tilespmem:s20], [sflag:$0x2] =	stream.indirect_vreg.gather [hbm4b:s3+s4], $0x80, v3, vm0, $0xb8;
	[tilespmem:$0x10800] =	vst v63  }
0x28f: {  	s20 =	simm.s32 $0xA000  }
0x290: {  	[tilespmem:s20], [sflag:$0x2] =	stream.indirect_vreg.gather [hbm4b:s6+s4], $0x80, v3, vm0, $0xb8;
	[tilespmem:$0x10800] =	vst v63  }
0x291: {  	v3 =	vld [tilespmem:$0x490];
	_ =	sdelay $0x4  }
0x292: {  	v37 =	vshll.u32 v3, $0x2  }
0x293: {  	v3 =	vand.u32 $0x7, v3;
	v4 =	vand.u32 $0xFFFFFFE0, v37  }
0x294: {  	v3 =	vor.u32 v3, v4  }
0x295: {  	v4 =	vperm.xlane v3, v0;
	_ =	sdelay $0x1  }
0x296: {  	v4 =	vadd.s32 v1, v4;
	_ =	sdelay $0x1  }
0x297: {  	v3 =	vperm.xlane v3, v2;
	_ =	sdelay $0x1  }
0x298: {  	s28 =	simm.s32 $0xA800;
	v3 =	vadd.s32 v1, v3  }
0x299: {  	[tilespmem:s28], [sflag:$0x2] =	stream.indirect_vreg.gather [hbm4b:s3+s4], $0x80, v4, vm0, $0xb8;
	[tilespmem:$0x10800] =	vst v63  }
0x29a: {  	s28 =	simm.s32 $0xB000  }
0x29b: {  	[tilespmem:s28], [sflag:$0x2] =	stream.indirect_vreg.gather [hbm4b:s6+s4], $0x80, v4, vm0, $0xb8;
	[tilespmem:$0x10800] =	vst v63  }
0x29c: {  	s24 =	simm.s32 $0xB800  }
0x29d: {  	[tilespmem:s24], [sflag:$0x2] =	stream.indirect_vreg.gather [hbm4b:s3+s4], $0x80, v3, vm0, $0xb8;
	[tilespmem:$0x10800] =	vst v63  }
0x29e: {  	s31 =	simm.s32 $0xC000  }
0x29f: {  	[tilespmem:s31], [sflag:$0x2] =	stream.indirect_vreg.gather [hbm4b:s6+s4], $0x80, v3, vm0, $0xb8;
	[tilespmem:$0x10800] =	vst v63  }
0x2a0: {  	v3 =	vld [tilespmem:$0x4A0];
	_ =	sdelay $0x4  }
0x2a1: {  	v38 =	vshll.u32 v3, $0x2  }
0x2a2: {  	v3 =	vand.u32 $0x7, v3;
	v4 =	vand.u32 $0xFFFFFFE0, v38  }
0x2a3: {  	v3 =	vor.u32 v3, v4  }
0x2a4: {  	v4 =	vperm.xlane v3, v0;
	_ =	sdelay $0x1  }
0x2a5: {  	v4 =	vadd.s32 v1, v4;
	_ =	sdelay $0x1  }
0x2a6: {  	v3 =	vperm.xlane v3, v2;
	_ =	sdelay $0x1  }
0x2a7: {  	s29 =	simm.s32 $0xC800;
	v3 =	vadd.s32 v1, v3  }
0x2a8: {  	[tilespmem:s29], [sflag:$0x2] =	stream.indirect_vreg.gather [hbm4b:s3+s4], $0x80, v4, vm0, $0xb8;
	[tilespmem:$0x10800] =	vst v63  }
0x2a9: {  	s30 =	simm.s32 $0xD000  }
0x2aa: {  	[tilespmem:s30], [sflag:$0x2] =	stream.indirect_vreg.gather [hbm4b:s6+s4], $0x80, v4, vm0, $0xb8;
	[tilespmem:$0x10800] =	vst v63  }
0x2ab: {  	s28 =	simm.s32 $0xD800  }
0x2ac: {  	[tilespmem:s28], [sflag:$0x2] =	stream.indirect_vreg.gather [hbm4b:s3+s4], $0x80, v3, vm0, $0xb8;
	[tilespmem:$0x10800] =	vst v63  }
0x2ad: {  	s31 =	simm.s32 $0xE000  }
0x2ae: {  	[tilespmem:s31], [sflag:$0x2] =	stream.indirect_vreg.gather [hbm4b:s6+s4], $0x80, v3, vm0, $0xb8;
	[tilespmem:$0x10800] =	vst v63  }
0x2af: {  	v3 =	vld [tilespmem:$0x4B0];
	_ =	sdelay $0x4  }
0x2b0: {  	v39 =	vshll.u32 v3, $0x2  }
0x2b1: {  	v3 =	vand.u32 $0x7, v3;
	v4 =	vand.u32 $0xFFFFFFE0, v39  }
0x2b2: {  	v3 =	vor.u32 v3, v4  }
0x2b3: {  	v4 =	vperm.xlane v3, v0;
	_ =	sdelay $0x1  }
0x2b4: {  	v4 =	vadd.s32 v1, v4;
	_ =	sdelay $0x1  }
0x2b5: {  	v3 =	vperm.xlane v3, v2;
	_ =	sdelay $0x1  }
0x2b6: {  	s31 =	simm.s32 $0xE800;
	v3 =	vadd.s32 v1, v3  }
0x2b7: {  	[tilespmem:s31], [sflag:$0x2] =	stream.indirect_vreg.gather [hbm4b:s3+s4], $0x80, v4, vm0, $0xb8;
	[tilespmem:$0x10800] =	vst v63  }
0x2b8: {  	s31 =	simm.s32 $0xF000  }
0x2b9: {  	[tilespmem:s31], [sflag:$0x2] =	stream.indirect_vreg.gather [hbm4b:s6+s4], $0x80, v4, vm0, $0xb8;
	[tilespmem:$0x10800] =	vst v63  }
0x2ba: {  	s31 =	simm.s32 $0xF800  }
0x2bb: {  	[tilespmem:s31], [sflag:$0x2] =	stream.indirect_vreg.gather [hbm4b:s3+s4], $0x80, v3, vm0, $0xb8;
	[tilespmem:$0x10800] =	vst v63  }
0x2bc: {  	s31 =	simm.s32 $0x10000  }
0x2bd: {  	[tilespmem:s31], [sflag:$0x2] =	stream.indirect_vreg.gather [hbm4b:s6+s4], $0x80, v3, vm0, $0xb8;
	[tilespmem:$0x10800] =	vst v63  }
0x2be: {  	s20 =	rddreg [dreg:$0xe]  }
0x2bf: {  	[hbm4b:s20+s4] =	stream.linear.scatter [tilespmem:s9], [sflag:$0x3], $0x8000, $0x38;
	[tilespmem:$0x10800] =	vst v63  }
0x2c0: {  	_ =	swait.ge [sflag:s8], $0x8000  }
0x2c1: {  	[sflag:s8] =	ssyncset.done $0x0  }
0x2c2: {  	[sflag:s8] =	ssyncadd.s32 $0xFFFF8000  }
0x2c3: {  	_ =	swait.ge [sflag:s19], $0x8000  }
0x2c4: {  	[sflag:s19] =	ssyncset.done $0x0  }
0x2c5: {  	[sflag:s19] =	ssyncadd.s32 $0xFFFF8000  }
0x2c6: {  	v3 =	vld [tilespmem:$0x500];
	_ =	sdelay $0x4  }
0x2c7: {  	v40 =	vshll.u32 v3, $0x2  }
0x2c8: {  	v3 =	vand.u32 $0x7, v3;
	v4 =	vand.u32 $0xFFFFFFE0, v40  }
0x2c9: {  	v3 =	vor.u32 v3, v4  }
0x2ca: {  	v4 =	vperm.xlane v3, v0;
	_ =	sdelay $0x1  }
0x2cb: {  	v4 =	vadd.s32 v1, v4;
	_ =	sdelay $0x1  }
0x2cc: {  	v3 =	vperm.xlane v3, v2;
	_ =	sdelay $0x1  }
0x2cd: {  	v3 =	vadd.s32 v1, v3  }
0x2ce: {  	[tilespmem:s9], [sflag:$0x1] =	stream.indirect_vreg.gather [hbm4b:s3+s4], $0x80, v4, vm0, $0xb8;
	[tilespmem:$0x10800] =	vst v63  }
0x2cf: {  	s15 =	simm.s32 $0x1000  }
0x2d0: {  	[tilespmem:s15], [sflag:$0x1] =	stream.indirect_vreg.gather [hbm4b:s6+s4], $0x80, v4, vm0, $0xb8;
	[tilespmem:$0x10800] =	vst v63  }
0x2d1: {  	s13 =	simm.s32 $0x1800  }
0x2d2: {  	[tilespmem:s13], [sflag:$0x1] =	stream.indirect_vreg.gather [hbm4b:s3+s4], $0x80, v3, vm0, $0xb8;
	[tilespmem:$0x10800] =	vst v63  }
0x2d3: {  	s14 =	simm.s32 $0x2000  }
0x2d4: {  	[tilespmem:s14], [sflag:$0x1] =	stream.indirect_vreg.gather [hbm4b:s6+s4], $0x80, v3, vm0, $0xb8;
	[tilespmem:$0x10800] =	vst v63  }
0x2d5: {  	v3 =	vld [tilespmem:$0x510];
	_ =	sdelay $0x4  }
0x2d6: {  	v41 =	vshll.u32 v3, $0x2  }
0x2d7: {  	v3 =	vand.u32 $0x7, v3;
	v4 =	vand.u32 $0xFFFFFFE0, v41  }
0x2d8: {  	v3 =	vor.u32 v3, v4  }
0x2d9: {  	v4 =	vperm.xlane v3, v0;
	_ =	sdelay $0x1  }
0x2da: {  	v4 =	vadd.s32 v1, v4;
	_ =	sdelay $0x1  }
0x2db: {  	v3 =	vperm.xlane v3, v2;
	_ =	sdelay $0x1  }
0x2dc: {  	s16 =	simm.s32 $0x2800;
	v3 =	vadd.s32 v1, v3  }
0x2dd: {  	[tilespmem:s16], [sflag:$0x1] =	stream.indirect_vreg.gather [hbm4b:s3+s4], $0x80, v4, vm0, $0xb8;
	[tilespmem:$0x10800] =	vst v63  }
0x2de: {  	s17 =	simm.s32 $0x3000  }
0x2df: {  	[tilespmem:s17], [sflag:$0x1] =	stream.indirect_vreg.gather [hbm4b:s6+s4], $0x80, v4, vm0, $0xb8;
	[tilespmem:$0x10800] =	vst v63  }
0x2e0: {  	s18 =	simm.s32 $0x3800  }
0x2e1: {  	[tilespmem:s18], [sflag:$0x1] =	stream.indirect_vreg.gather [hbm4b:s3+s4], $0x80, v3, vm0, $0xb8;
	[tilespmem:$0x10800] =	vst v63  }
0x2e2: {  	s21 =	simm.s32 $0x4000  }
0x2e3: {  	[tilespmem:s21], [sflag:$0x1] =	stream.indirect_vreg.gather [hbm4b:s6+s4], $0x80, v3, vm0, $0xb8;
	[tilespmem:$0x10800] =	vst v63  }
0x2e4: {  	v3 =	vld [tilespmem:$0x520];
	_ =	sdelay $0x4  }
0x2e5: {  	v42 =	vshll.u32 v3, $0x2  }
0x2e6: {  	v3 =	vand.u32 $0x7, v3;
	v4 =	vand.u32 $0xFFFFFFE0, v42  }
0x2e7: {  	v3 =	vor.u32 v3, v4  }
0x2e8: {  	v4 =	vperm.xlane v3, v0;
	_ =	sdelay $0x1  }
0x2e9: {  	v4 =	vadd.s32 v1, v4;
	_ =	sdelay $0x1  }
0x2ea: {  	v3 =	vperm.xlane v3, v2;
	_ =	sdelay $0x1  }
0x2eb: {  	s22 =	simm.s32 $0x4800;
	v3 =	vadd.s32 v1, v3  }
0x2ec: {  	[tilespmem:s22], [sflag:$0x1] =	stream.indirect_vreg.gather [hbm4b:s3+s4], $0x80, v4, vm0, $0xb8;
	[tilespmem:$0x10800] =	vst v63  }
0x2ed: {  	s12 =	simm.s32 $0x5000  }
0x2ee: {  	[tilespmem:s12], [sflag:$0x1] =	stream.indirect_vreg.gather [hbm4b:s6+s4], $0x80, v4, vm0, $0xb8;
	[tilespmem:$0x10800] =	vst v63  }
0x2ef: {  	s11 =	simm.s32 $0x5800  }
0x2f0: {  	[tilespmem:s11], [sflag:$0x1] =	stream.indirect_vreg.gather [hbm4b:s3+s4], $0x80, v3, vm0, $0xb8;
	[tilespmem:$0x10800] =	vst v63  }
0x2f1: {  	s10 =	simm.s32 $0x6000  }
0x2f2: {  	[tilespmem:s10], [sflag:$0x1] =	stream.indirect_vreg.gather [hbm4b:s6+s4], $0x80, v3, vm0, $0xb8;
	[tilespmem:$0x10800] =	vst v63  }
0x2f3: {  	v3 =	vld [tilespmem:$0x530];
	_ =	sdelay $0x4  }
0x2f4: {  	v43 =	vshll.u32 v3, $0x2  }
0x2f5: {  	v3 =	vand.u32 $0x7, v3;
	v4 =	vand.u32 $0xFFFFFFE0, v43  }
0x2f6: {  	v3 =	vor.u32 v3, v4  }
0x2f7: {  	v4 =	vperm.xlane v3, v0;
	_ =	sdelay $0x1  }
0x2f8: {  	v4 =	vadd.s32 v1, v4;
	_ =	sdelay $0x1  }
0x2f9: {  	v3 =	vperm.xlane v3, v2;
	_ =	sdelay $0x1  }
0x2fa: {  	s0 =	simm.s32 $0x6800;
	v3 =	vadd.s32 v1, v3  }
0x2fb: {  	[tilespmem:s0], [sflag:$0x1] =	stream.indirect_vreg.gather [hbm4b:s3+s4], $0x80, v4, vm0, $0xb8;
	[tilespmem:$0x10800] =	vst v63  }
0x2fc: {  	s2 =	simm.s32 $0x7000  }
0x2fd: {  	[tilespmem:s2], [sflag:$0x1] =	stream.indirect_vreg.gather [hbm4b:s6+s4], $0x80, v4, vm0, $0xb8;
	[tilespmem:$0x10800] =	vst v63  }
0x2fe: {  	s7 =	simm.s32 $0x7800  }
0x2ff: {  	[tilespmem:s7], [sflag:$0x1] =	stream.indirect_vreg.gather [hbm4b:s3+s4], $0x80, v3, vm0, $0xb8;
	[tilespmem:$0x10800] =	vst v63  }
0x300: {  	s23 =	simm.s32 $0x8000  }
0x301: {  	[tilespmem:s23], [sflag:$0x1] =	stream.indirect_vreg.gather [hbm4b:s6+s4], $0x80, v3, vm0, $0xb8;
	[tilespmem:$0x10800] =	vst v63  }
0x302: {  	s22 =	rddreg [dreg:$0xf]  }
0x303: {  	[hbm4b:s22+s4] =	stream.linear.scatter [tilespmem:s26], [sflag:$0x3], $0x8000, $0x38;
	[tilespmem:$0x10800] =	vst v63  }
0x304: {  	_ =	swait.ge [sflag:s8], $0x8000  }
0x305: {  	[sflag:s8] =	ssyncset.done $0x0  }
0x306: {  	[sflag:s8] =	ssyncadd.s32 $0xFFFF8000  }
0x307: {  	_ =	swait.ge [sflag:s25], $0x8000  }
0x308: {  	[sflag:s25] =	ssyncset.done $0x0  }
0x309: {  	[sflag:s25] =	ssyncadd.s32 $0xFFFF8000  }
0x30a: {  	v3 =	vld [tilespmem:$0x580];
	_ =	sdelay $0x4  }
0x30b: {  	v44 =	vshll.u32 v3, $0x2  }
0x30c: {  	v3 =	vand.u32 $0x7, v3;
	v4 =	vand.u32 $0xFFFFFFE0, v44  }
0x30d: {  	v3 =	vor.u32 v3, v4  }
0x30e: {  	v4 =	vperm.xlane v3, v0;
	_ =	sdelay $0x1  }
0x30f: {  	v4 =	vadd.s32 v1, v4;
	_ =	sdelay $0x1  }
0x310: {  	v3 =	vperm.xlane v3, v2;
	_ =	sdelay $0x1  }
0x311: {  	v3 =	vadd.s32 v1, v3  }
0x312: {  	[tilespmem:s26], [sflag:$0x2] =	stream.indirect_vreg.gather [hbm4b:s3+s4], $0x80, v4, vm0, $0xb8;
	[tilespmem:$0x10800] =	vst v63  }
0x313: {  	s23 =	simm.s32 $0x9000  }
0x314: {  	[tilespmem:s23], [sflag:$0x2] =	stream.indirect_vreg.gather [hbm4b:s6+s4], $0x80, v4, vm0, $0xb8;
	[tilespmem:$0x10800] =	vst v63  }
0x315: {  	s7 =	simm.s32 $0x9800  }
0x316: {  	[tilespmem:s7], [sflag:$0x2] =	stream.indirect_vreg.gather [hbm4b:s3+s4], $0x80, v3, vm0, $0xb8;
	[tilespmem:$0x10800] =	vst v63  }
0x317: {  	s13 =	simm.s32 $0xA000  }
0x318: {  	[tilespmem:s13], [sflag:$0x2] =	stream.indirect_vreg.gather [hbm4b:s6+s4], $0x80, v3, vm0, $0xb8;
	[tilespmem:$0x10800] =	vst v63  }
0x319: {  	v3 =	vld [tilespmem:$0x590];
	_ =	sdelay $0x4  }
0x31a: {  	v45 =	vshll.u32 v3, $0x2  }
0x31b: {  	v3 =	vand.u32 $0x7, v3;
	v4 =	vand.u32 $0xFFFFFFE0, v45  }
0x31c: {  	v3 =	vor.u32 v3, v4  }
0x31d: {  	v4 =	vperm.xlane v3, v0;
	_ =	sdelay $0x1  }
0x31e: {  	v4 =	vadd.s32 v1, v4;
	_ =	sdelay $0x1  }
0x31f: {  	v3 =	vperm.xlane v3, v2;
	_ =	sdelay $0x1  }
0x320: {  	s14 =	simm.s32 $0xA800;
	v3 =	vadd.s32 v1, v3  }
0x321: {  	[tilespmem:s14], [sflag:$0x2] =	stream.indirect_vreg.gather [hbm4b:s3+s4], $0x80, v4, vm0, $0xb8;
	[tilespmem:$0x10800] =	vst v63  }
0x322: {  	s15 =	simm.s32 $0xB000  }
0x323: {  	[tilespmem:s15], [sflag:$0x2] =	stream.indirect_vreg.gather [hbm4b:s6+s4], $0x80, v4, vm0, $0xb8;
	[tilespmem:$0x10800] =	vst v63  }
0x324: {  	s16 =	simm.s32 $0xB800  }
0x325: {  	[tilespmem:s16], [sflag:$0x2] =	stream.indirect_vreg.gather [hbm4b:s3+s4], $0x80, v3, vm0, $0xb8;
	[tilespmem:$0x10800] =	vst v63  }
0x326: {  	s24 =	simm.s32 $0xC000  }
0x327: {  	[tilespmem:s24], [sflag:$0x2] =	stream.indirect_vreg.gather [hbm4b:s6+s4], $0x80, v3, vm0, $0xb8;
	[tilespmem:$0x10800] =	vst v63  }
0x328: {  	v3 =	vld [tilespmem:$0x5A0];
	_ =	sdelay $0x4  }
0x329: {  	v46 =	vshll.u32 v3, $0x2  }
0x32a: {  	v3 =	vand.u32 $0x7, v3;
	v4 =	vand.u32 $0xFFFFFFE0, v46  }
0x32b: {  	v3 =	vor.u32 v3, v4  }
0x32c: {  	v4 =	vperm.xlane v3, v0;
	_ =	sdelay $0x1  }
0x32d: {  	v4 =	vadd.s32 v1, v4;
	_ =	sdelay $0x1  }
0x32e: {  	v3 =	vperm.xlane v3, v2;
	_ =	sdelay $0x1  }
0x32f: {  	s29 =	simm.s32 $0xC800;
	v3 =	vadd.s32 v1, v3  }
0x330: {  	[tilespmem:s29], [sflag:$0x2] =	stream.indirect_vreg.gather [hbm4b:s3+s4], $0x80, v4, vm0, $0xb8;
	[tilespmem:$0x10800] =	vst v63  }
0x331: {  	s30 =	simm.s32 $0xD000  }
0x332: {  	[tilespmem:s30], [sflag:$0x2] =	stream.indirect_vreg.gather [hbm4b:s6+s4], $0x80, v4, vm0, $0xb8;
	[tilespmem:$0x10800] =	vst v63  }
0x333: {  	s28 =	simm.s32 $0xD800  }
0x334: {  	[tilespmem:s28], [sflag:$0x2] =	stream.indirect_vreg.gather [hbm4b:s3+s4], $0x80, v3, vm0, $0xb8;
	[tilespmem:$0x10800] =	vst v63  }
0x335: {  	s20 =	simm.s32 $0xE000  }
0x336: {  	[tilespmem:s20], [sflag:$0x2] =	stream.indirect_vreg.gather [hbm4b:s6+s4], $0x80, v3, vm0, $0xb8;
	[tilespmem:$0x10800] =	vst v63  }
0x337: {  	v3 =	vld [tilespmem:$0x5B0];
	_ =	sdelay $0x4  }
0x338: {  	v47 =	vshll.u32 v3, $0x2  }
0x339: {  	v3 =	vand.u32 $0x7, v3;
	v4 =	vand.u32 $0xFFFFFFE0, v47  }
0x33a: {  	v3 =	vor.u32 v3, v4  }
0x33b: {  	v4 =	vperm.xlane v3, v0;
	_ =	sdelay $0x1  }
0x33c: {  	v4 =	vadd.s32 v1, v4;
	_ =	sdelay $0x1  }
0x33d: {  	v3 =	vperm.xlane v3, v2;
	_ =	sdelay $0x1  }
0x33e: {  	s21 =	simm.s32 $0xE800;
	v3 =	vadd.s32 v1, v3  }
0x33f: {  	[tilespmem:s21], [sflag:$0x2] =	stream.indirect_vreg.gather [hbm4b:s3+s4], $0x80, v4, vm0, $0xb8;
	[tilespmem:$0x10800] =	vst v63  }
0x340: {  	s23 =	simm.s32 $0xF000  }
0x341: {  	[tilespmem:s23], [sflag:$0x2] =	stream.indirect_vreg.gather [hbm4b:s6+s4], $0x80, v4, vm0, $0xb8;
	[tilespmem:$0x10800] =	vst v63  }
0x342: {  	s24 =	simm.s32 $0xF800  }
0x343: {  	[tilespmem:s24], [sflag:$0x2] =	stream.indirect_vreg.gather [hbm4b:s3+s4], $0x80, v3, vm0, $0xb8;
	[tilespmem:$0x10800] =	vst v63  }
0x344: {  	s31 =	simm.s32 $0x10000  }
0x345: {  	[tilespmem:s31], [sflag:$0x2] =	stream.indirect_vreg.gather [hbm4b:s6+s4], $0x80, v3, vm0, $0xb8;
	[tilespmem:$0x10800] =	vst v63  }
0x346: {  	s30 =	rddreg [dreg:$0x10]  }
0x347: {  	[hbm4b:s30+s4] =	stream.linear.scatter [tilespmem:s9], [sflag:$0x3], $0x8000, $0x38;
	[tilespmem:$0x10800] =	vst v63  }
0x348: {  	_ =	swait.ge [sflag:s8], $0x8000  }
0x349: {  	[sflag:s8] =	ssyncset.done $0x0  }
0x34a: {  	[sflag:s8] =	ssyncadd.s32 $0xFFFF8000  }
0x34b: {  	_ =	swait.ge [sflag:s19], $0x8000  }
0x34c: {  	[sflag:s19] =	ssyncset.done $0x0  }
0x34d: {  	[sflag:s19] =	ssyncadd.s32 $0xFFFF8000  }
0x34e: {  	v3 =	vld [tilespmem:$0x600];
	_ =	sdelay $0x4  }
0x34f: {  	v48 =	vshll.u32 v3, $0x2  }
0x350: {  	v3 =	vand.u32 $0x7, v3;
	v4 =	vand.u32 $0xFFFFFFE0, v48  }
0x351: {  	v3 =	vor.u32 v3, v4  }
0x352: {  	v4 =	vperm.xlane v3, v0;
	_ =	sdelay $0x1  }
0x353: {  	v4 =	vadd.s32 v1, v4;
	_ =	sdelay $0x1  }
0x354: {  	v3 =	vperm.xlane v3, v2;
	_ =	sdelay $0x1  }
0x355: {  	v3 =	vadd.s32 v1, v3  }
0x356: {  	[tilespmem:s9], [sflag:$0x1] =	stream.indirect_vreg.gather [hbm4b:s3+s4], $0x80, v4, vm0, $0xb8;
	[tilespmem:$0x10800] =	vst v63  }
0x357: {  	s31 =	simm.s32 $0x1000  }
0x358: {  	[tilespmem:s31], [sflag:$0x1] =	stream.indirect_vreg.gather [hbm4b:s6+s4], $0x80, v4, vm0, $0xb8;
	[tilespmem:$0x10800] =	vst v63  }
0x359: {  	s23 =	simm.s32 $0x1800  }
0x35a: {  	[tilespmem:s23], [sflag:$0x1] =	stream.indirect_vreg.gather [hbm4b:s3+s4], $0x80, v3, vm0, $0xb8;
	[tilespmem:$0x10800] =	vst v63  }
0x35b: {  	s24 =	simm.s32 $0x2000  }
0x35c: {  	[tilespmem:s24], [sflag:$0x1] =	stream.indirect_vreg.gather [hbm4b:s6+s4], $0x80, v3, vm0, $0xb8;
	[tilespmem:$0x10800] =	vst v63  }
0x35d: {  	v3 =	vld [tilespmem:$0x610];
	_ =	sdelay $0x4  }
0x35e: {  	v49 =	vshll.u32 v3, $0x2  }
0x35f: {  	v3 =	vand.u32 $0x7, v3;
	v4 =	vand.u32 $0xFFFFFFE0, v49  }
0x360: {  	v3 =	vor.u32 v3, v4  }
0x361: {  	v4 =	vperm.xlane v3, v0;
	_ =	sdelay $0x1  }
0x362: {  	v4 =	vadd.s32 v1, v4;
	_ =	sdelay $0x1  }
0x363: {  	v3 =	vperm.xlane v3, v2;
	_ =	sdelay $0x1  }
0x364: {  	s30 =	simm.s32 $0x2800;
	v3 =	vadd.s32 v1, v3  }
0x365: {  	[tilespmem:s30], [sflag:$0x1] =	stream.indirect_vreg.gather [hbm4b:s3+s4], $0x80, v4, vm0, $0xb8;
	[tilespmem:$0x10800] =	vst v63  }
0x366: {  	s31 =	simm.s32 $0x3000  }
0x367: {  	[tilespmem:s31], [sflag:$0x1] =	stream.indirect_vreg.gather [hbm4b:s6+s4], $0x80, v4, vm0, $0xb8;
	[tilespmem:$0x10800] =	vst v63  }
0x368: {  	s23 =	simm.s32 $0x3800  }
0x369: {  	[tilespmem:s23], [sflag:$0x1] =	stream.indirect_vreg.gather [hbm4b:s3+s4], $0x80, v3, vm0, $0xb8;
	[tilespmem:$0x10800] =	vst v63  }
0x36a: {  	s24 =	simm.s32 $0x4000  }
0x36b: {  	[tilespmem:s24], [sflag:$0x1] =	stream.indirect_vreg.gather [hbm4b:s6+s4], $0x80, v3, vm0, $0xb8;
	[tilespmem:$0x10800] =	vst v63  }
0x36c: {  	v3 =	vld [tilespmem:$0x620];
	_ =	sdelay $0x4  }
0x36d: {  	v50 =	vshll.u32 v3, $0x2  }
0x36e: {  	v3 =	vand.u32 $0x7, v3;
	v4 =	vand.u32 $0xFFFFFFE0, v50  }
0x36f: {  	v3 =	vor.u32 v3, v4  }
0x370: {  	v4 =	vperm.xlane v3, v0;
	_ =	sdelay $0x1  }
0x371: {  	v4 =	vadd.s32 v1, v4;
	_ =	sdelay $0x1  }
0x372: {  	v3 =	vperm.xlane v3, v2;
	_ =	sdelay $0x1  }
0x373: {  	s30 =	simm.s32 $0x4800;
	v3 =	vadd.s32 v1, v3  }
0x374: {  	[tilespmem:s30], [sflag:$0x1] =	stream.indirect_vreg.gather [hbm4b:s3+s4], $0x80, v4, vm0, $0xb8;
	[tilespmem:$0x10800] =	vst v63  }
0x375: {  	s31 =	simm.s32 $0x5000  }
0x376: {  	[tilespmem:s31], [sflag:$0x1] =	stream.indirect_vreg.gather [hbm4b:s6+s4], $0x80, v4, vm0, $0xb8;
	[tilespmem:$0x10800] =	vst v63  }
0x377: {  	s23 =	simm.s32 $0x5800  }
0x378: {  	[tilespmem:s23], [sflag:$0x1] =	stream.indirect_vreg.gather [hbm4b:s3+s4], $0x80, v3, vm0, $0xb8;
	[tilespmem:$0x10800] =	vst v63  }
0x379: {  	s24 =	simm.s32 $0x6000  }
0x37a: {  	[tilespmem:s24], [sflag:$0x1] =	stream.indirect_vreg.gather [hbm4b:s6+s4], $0x80, v3, vm0, $0xb8;
	[tilespmem:$0x10800] =	vst v63  }
0x37b: {  	v3 =	vld [tilespmem:$0x630];
	_ =	sdelay $0x4  }
0x37c: {  	v51 =	vshll.u32 v3, $0x2  }
0x37d: {  	v3 =	vand.u32 $0x7, v3;
	v4 =	vand.u32 $0xFFFFFFE0, v51  }
0x37e: {  	v3 =	vor.u32 v3, v4  }
0x37f: {  	v4 =	vperm.xlane v3, v0;
	_ =	sdelay $0x1  }
0x380: {  	v4 =	vadd.s32 v1, v4;
	_ =	sdelay $0x1  }
0x381: {  	v3 =	vperm.xlane v3, v2;
	_ =	sdelay $0x1  }
0x382: {  	s10 =	simm.s32 $0x6800;
	v3 =	vadd.s32 v1, v3  }
0x383: {  	[tilespmem:s10], [sflag:$0x1] =	stream.indirect_vreg.gather [hbm4b:s3+s4], $0x80, v4, vm0, $0xb8;
	[tilespmem:$0x10800] =	vst v63  }
0x384: {  	s0 =	simm.s32 $0x7000  }
0x385: {  	[tilespmem:s0], [sflag:$0x1] =	stream.indirect_vreg.gather [hbm4b:s6+s4], $0x80, v4, vm0, $0xb8;
	[tilespmem:$0x10800] =	vst v63  }
0x386: {  	s17 =	simm.s32 $0x7800  }
0x387: {  	[tilespmem:s17], [sflag:$0x1] =	stream.indirect_vreg.gather [hbm4b:s3+s4], $0x80, v3, vm0, $0xb8;
	[tilespmem:$0x10800] =	vst v63  }
0x388: {  	s11 =	simm.s32 $0x8000  }
0x389: {  	[tilespmem:s11], [sflag:$0x1] =	stream.indirect_vreg.gather [hbm4b:s6+s4], $0x80, v3, vm0, $0xb8;
	[tilespmem:$0x10800] =	vst v63  }
0x38a: {  	s30 =	rddreg [dreg:$0x11]  }
0x38b: {  	[hbm4b:s30+s4] =	stream.linear.scatter [tilespmem:s26], [sflag:$0x3], $0x8000, $0x38;
	[tilespmem:$0x10800] =	vst v63  }
0x38c: {  	_ =	swait.ge [sflag:s8], $0x8000  }
0x38d: {  	[sflag:s8] =	ssyncset.done $0x0  }
0x38e: {  	[sflag:s8] =	ssyncadd.s32 $0xFFFF8000  }
0x38f: {  	_ =	swait.ge [sflag:s25], $0x8000  }
0x390: {  	[sflag:s25] =	ssyncset.done $0x0  }
0x391: {  	[sflag:s25] =	ssyncadd.s32 $0xFFFF8000  }
0x392: {  	v3 =	vld [tilespmem:$0x680];
	_ =	sdelay $0x4  }
0x393: {  	v52 =	vshll.u32 v3, $0x2  }
0x394: {  	v3 =	vand.u32 $0x7, v3;
	v4 =	vand.u32 $0xFFFFFFE0, v52  }
0x395: {  	v3 =	vor.u32 v3, v4  }
0x396: {  	v4 =	vperm.xlane v3, v0;
	_ =	sdelay $0x1  }
0x397: {  	v4 =	vadd.s32 v1, v4;
	_ =	sdelay $0x1  }
0x398: {  	v3 =	vperm.xlane v3, v2;
	_ =	sdelay $0x1  }
0x399: {  	v3 =	vadd.s32 v1, v3  }
0x39a: {  	[tilespmem:s26], [sflag:$0x2] =	stream.indirect_vreg.gather [hbm4b:s3+s4], $0x80, v4, vm0, $0xb8;
	[tilespmem:$0x10800] =	vst v63  }
0x39b: {  	s12 =	simm.s32 $0x9000  }
0x39c: {  	[tilespmem:s12], [sflag:$0x2] =	stream.indirect_vreg.gather [hbm4b:s6+s4], $0x80, v4, vm0, $0xb8;
	[tilespmem:$0x10800] =	vst v63  }
0x39d: {  	s2 =	simm.s32 $0x9800  }
0x39e: {  	[tilespmem:s2], [sflag:$0x2] =	stream.indirect_vreg.gather [hbm4b:s3+s4], $0x80, v3, vm0, $0xb8;
	[tilespmem:$0x10800] =	vst v63  }
0x39f: {  	s7 =	simm.s32 $0xA000  }
0x3a0: {  	[tilespmem:s7], [sflag:$0x2] =	stream.indirect_vreg.gather [hbm4b:s6+s4], $0x80, v3, vm0, $0xb8;
	[tilespmem:$0x10800] =	vst v63  }
0x3a1: {  	v3 =	vld [tilespmem:$0x690];
	_ =	sdelay $0x4  }
0x3a2: {  	v53 =	vshll.u32 v3, $0x2  }
0x3a3: {  	v3 =	vand.u32 $0x7, v3;
	v4 =	vand.u32 $0xFFFFFFE0, v53  }
0x3a4: {  	v3 =	vor.u32 v3, v4  }
0x3a5: {  	v4 =	vperm.xlane v3, v0;
	_ =	sdelay $0x1  }
0x3a6: {  	v4 =	vadd.s32 v1, v4;
	_ =	sdelay $0x1  }
0x3a7: {  	v3 =	vperm.xlane v3, v2;
	_ =	sdelay $0x1  }
0x3a8: {  	s18 =	simm.s32 $0xA800;
	v3 =	vadd.s32 v1, v3  }
0x3a9: {  	[tilespmem:s18], [sflag:$0x2] =	stream.indirect_vreg.gather [hbm4b:s3+s4], $0x80, v4, vm0, $0xb8;
	[tilespmem:$0x10800] =	vst v63  }
0x3aa: {  	s13 =	simm.s32 $0xB000  }
0x3ab: {  	[tilespmem:s13], [sflag:$0x2] =	stream.indirect_vreg.gather [hbm4b:s6+s4], $0x80, v4, vm0, $0xb8;
	[tilespmem:$0x10800] =	vst v63  }
0x3ac: {  	s22 =	simm.s32 $0xB800  }
0x3ad: {  	[tilespmem:s22], [sflag:$0x2] =	stream.indirect_vreg.gather [hbm4b:s3+s4], $0x80, v3, vm0, $0xb8;
	[tilespmem:$0x10800] =	vst v63  }
0x3ae: {  	s14 =	simm.s32 $0xC000  }
0x3af: {  	[tilespmem:s14], [sflag:$0x2] =	stream.indirect_vreg.gather [hbm4b:s6+s4], $0x80, v3, vm0, $0xb8;
	[tilespmem:$0x10800] =	vst v63  }
0x3b0: {  	v3 =	vld [tilespmem:$0x6A0];
	_ =	sdelay $0x4  }
0x3b1: {  	v54 =	vshll.u32 v3, $0x2  }
0x3b2: {  	v3 =	vand.u32 $0x7, v3;
	v4 =	vand.u32 $0xFFFFFFE0, v54  }
0x3b3: {  	v3 =	vor.u32 v3, v4  }
0x3b4: {  	v4 =	vperm.xlane v3, v0;
	_ =	sdelay $0x1  }
0x3b5: {  	v4 =	vadd.s32 v1, v4;
	_ =	sdelay $0x1  }
0x3b6: {  	v3 =	vperm.xlane v3, v2;
	_ =	sdelay $0x1  }
0x3b7: {  	s31 =	simm.s32 $0xC800;
	v3 =	vadd.s32 v1, v3  }
0x3b8: {  	[tilespmem:s31], [sflag:$0x2] =	stream.indirect_vreg.gather [hbm4b:s3+s4], $0x80, v4, vm0, $0xb8;
	[tilespmem:$0x10800] =	vst v63  }
0x3b9: {  	s14 =	simm.s32 $0xD000  }
0x3ba: {  	[tilespmem:s14], [sflag:$0x2] =	stream.indirect_vreg.gather [hbm4b:s6+s4], $0x80, v4, vm0, $0xb8;
	[tilespmem:$0x10800] =	vst v63  }
0x3bb: {  	s29 =	simm.s32 $0xD800  }
0x3bc: {  	[tilespmem:s29], [sflag:$0x2] =	stream.indirect_vreg.gather [hbm4b:s3+s4], $0x80, v3, vm0, $0xb8;
	[tilespmem:$0x10800] =	vst v63  }
0x3bd: {  	s28 =	simm.s32 $0xE000  }
0x3be: {  	[tilespmem:s28], [sflag:$0x2] =	stream.indirect_vreg.gather [hbm4b:s6+s4], $0x80, v3, vm0, $0xb8;
	[tilespmem:$0x10800] =	vst v63  }
0x3bf: {  	v3 =	vld [tilespmem:$0x6B0];
	_ =	sdelay $0x4  }
0x3c0: {  	v55 =	vshll.u32 v3, $0x2  }
0x3c1: {  	v3 =	vand.u32 $0x7, v3;
	v4 =	vand.u32 $0xFFFFFFE0, v55  }
0x3c2: {  	v3 =	vor.u32 v3, v4  }
0x3c3: {  	v4 =	vperm.xlane v3, v0;
	_ =	sdelay $0x1  }
0x3c4: {  	v4 =	vadd.s32 v1, v4;
	_ =	sdelay $0x1  }
0x3c5: {  	v3 =	vperm.xlane v3, v2;
	_ =	sdelay $0x1  }
0x3c6: {  	s21 =	simm.s32 $0xE800;
	v3 =	vadd.s32 v1, v3  }
0x3c7: {  	[tilespmem:s21], [sflag:$0x2] =	stream.indirect_vreg.gather [hbm4b:s3+s4], $0x80, v4, vm0, $0xb8;
	[tilespmem:$0x10800] =	vst v63  }
0x3c8: {  	s15 =	simm.s32 $0xF000  }
0x3c9: {  	[tilespmem:s15], [sflag:$0x2] =	stream.indirect_vreg.gather [hbm4b:s6+s4], $0x80, v4, vm0, $0xb8;
	[tilespmem:$0x10800] =	vst v63  }
0x3ca: {  	s16 =	simm.s32 $0xF800  }
0x3cb: {  	[tilespmem:s16], [sflag:$0x2] =	stream.indirect_vreg.gather [hbm4b:s3+s4], $0x80, v3, vm0, $0xb8;
	[tilespmem:$0x10800] =	vst v63  }
0x3cc: {  	s16 =	simm.s32 $0x10000  }
0x3cd: {  	[tilespmem:s16], [sflag:$0x2] =	stream.indirect_vreg.gather [hbm4b:s6+s4], $0x80, v3, vm0, $0xb8;
	[tilespmem:$0x10800] =	vst v63  }
0x3ce: {  	s20 =	rddreg [dreg:$0x12]  }
0x3cf: {  	[hbm4b:s20+s4] =	stream.linear.scatter [tilespmem:s9], [sflag:$0x3], $0x8000, $0x38;
	[tilespmem:$0x10800] =	vst v63  }
0x3d0: {  	_ =	swait.ge [sflag:s8], $0x8000  }
0x3d1: {  	[sflag:s8] =	ssyncset.done $0x0  }
0x3d2: {  	[sflag:s8] =	ssyncadd.s32 $0xFFFF8000  }
0x3d3: {  	_ =	swait.ge [sflag:s19], $0x8000  }
0x3d4: {  	[sflag:s19] =	ssyncset.done $0x0  }
0x3d5: {  	[sflag:s19] =	ssyncadd.s32 $0xFFFF8000  }
0x3d6: {  	v3 =	vld [tilespmem:$0x700];
	_ =	sdelay $0x4  }
0x3d7: {  	v56 =	vshll.u32 v3, $0x2  }
0x3d8: {  	v3 =	vand.u32 $0x7, v3;
	v4 =	vand.u32 $0xFFFFFFE0, v56  }
0x3d9: {  	v3 =	vor.u32 v3, v4  }
0x3da: {  	v4 =	vperm.xlane v3, v0;
	_ =	sdelay $0x1  }
0x3db: {  	v4 =	vadd.s32 v1, v4;
	_ =	sdelay $0x1  }
0x3dc: {  	v3 =	vperm.xlane v3, v2;
	_ =	sdelay $0x1  }
0x3dd: {  	v3 =	vadd.s32 v1, v3  }
0x3de: {  	[tilespmem:s9], [sflag:$0x1] =	stream.indirect_vreg.gather [hbm4b:s3+s4], $0x80, v4, vm0, $0xb8;
	[tilespmem:$0x10800] =	vst v63  }
0x3df: {  	s20 =	simm.s32 $0x1000  }
0x3e0: {  	[tilespmem:s20], [sflag:$0x1] =	stream.indirect_vreg.gather [hbm4b:s6+s4], $0x80, v4, vm0, $0xb8;
	[tilespmem:$0x10800] =	vst v63  }
0x3e1: {  	s20 =	simm.s32 $0x1800  }
0x3e2: {  	[tilespmem:s20], [sflag:$0x1] =	stream.indirect_vreg.gather [hbm4b:s3+s4], $0x80, v3, vm0, $0xb8;
	[tilespmem:$0x10800] =	vst v63  }
0x3e3: {  	s20 =	simm.s32 $0x2000  }
0x3e4: {  	[tilespmem:s20], [sflag:$0x1] =	stream.indirect_vreg.gather [hbm4b:s6+s4], $0x80, v3, vm0, $0xb8;
	[tilespmem:$0x10800] =	vst v63  }
0x3e5: {  	v3 =	vld [tilespmem:$0x710];
	_ =	sdelay $0x4  }
0x3e6: {  	v57 =	vshll.u32 v3, $0x2  }
0x3e7: {  	v3 =	vand.u32 $0x7, v3;
	v4 =	vand.u32 $0xFFFFFFE0, v57  }
0x3e8: {  	v3 =	vor.u32 v3, v4  }
0x3e9: {  	v4 =	vperm.xlane v3, v0;
	_ =	sdelay $0x1  }
0x3ea: {  	v4 =	vadd.s32 v1, v4;
	_ =	sdelay $0x1  }
0x3eb: {  	v3 =	vperm.xlane v3, v2;
	_ =	sdelay $0x1  }
0x3ec: {  	s20 =	simm.s32 $0x2800;
	v3 =	vadd.s32 v1, v3  }
0x3ed: {  	[tilespmem:s20], [sflag:$0x1] =	stream.indirect_vreg.gather [hbm4b:s3+s4], $0x80, v4, vm0, $0xb8;
	[tilespmem:$0x10800] =	vst v63  }
0x3ee: {  	s20 =	simm.s32 $0x3000  }
0x3ef: {  	[tilespmem:s20], [sflag:$0x1] =	stream.indirect_vreg.gather [hbm4b:s6+s4], $0x80, v4, vm0, $0xb8;
	[tilespmem:$0x10800] =	vst v63  }
0x3f0: {  	s20 =	simm.s32 $0x3800  }
0x3f1: {  	[tilespmem:s20], [sflag:$0x1] =	stream.indirect_vreg.gather [hbm4b:s3+s4], $0x80, v3, vm0, $0xb8;
	[tilespmem:$0x10800] =	vst v63  }
0x3f2: {  	s20 =	simm.s32 $0x4000  }
0x3f3: {  	[tilespmem:s20], [sflag:$0x1] =	stream.indirect_vreg.gather [hbm4b:s6+s4], $0x80, v3, vm0, $0xb8;
	[tilespmem:$0x10800] =	vst v63  }
0x3f4: {  	v3 =	vld [tilespmem:$0x720];
	_ =	sdelay $0x4  }
0x3f5: {  	v58 =	vshll.u32 v3, $0x2  }
0x3f6: {  	v3 =	vand.u32 $0x7, v3;
	v4 =	vand.u32 $0xFFFFFFE0, v58  }
0x3f7: {  	v3 =	vor.u32 v3, v4  }
0x3f8: {  	v4 =	vperm.xlane v3, v0;
	_ =	sdelay $0x1  }
0x3f9: {  	v4 =	vadd.s32 v1, v4;
	_ =	sdelay $0x1  }
0x3fa: {  	v3 =	vperm.xlane v3, v2;
	_ =	sdelay $0x1  }
0x3fb: {  	s20 =	simm.s32 $0x4800;
	v3 =	vadd.s32 v1, v3  }
0x3fc: {  	[tilespmem:s20], [sflag:$0x1] =	stream.indirect_vreg.gather [hbm4b:s3+s4], $0x80, v4, vm0, $0xb8;
	[tilespmem:$0x10800] =	vst v63  }
0x3fd: {  	s20 =	simm.s32 $0x5000  }
0x3fe: {  	[tilespmem:s20], [sflag:$0x1] =	stream.indirect_vreg.gather [hbm4b:s6+s4], $0x80, v4, vm0, $0xb8;
	[tilespmem:$0x10800] =	vst v63  }
0x3ff: {  	s20 =	simm.s32 $0x5800  }
0x400: {  	[tilespmem:s20], [sflag:$0x1] =	stream.indirect_vreg.gather [hbm4b:s3+s4], $0x80, v3, vm0, $0xb8;
	[tilespmem:$0x10800] =	vst v63  }
0x401: {  	s20 =	simm.s32 $0x6000  }
0x402: {  	[tilespmem:s20], [sflag:$0x1] =	stream.indirect_vreg.gather [hbm4b:s6+s4], $0x80, v3, vm0, $0xb8;
	[tilespmem:$0x10800] =	vst v63  }
0x403: {  	v3 =	vld [tilespmem:$0x730];
	_ =	sdelay $0x4  }
0x404: {  	v59 =	vshll.u32 v3, $0x2  }
0x405: {  	v3 =	vand.u32 $0x7, v3;
	v4 =	vand.u32 $0xFFFFFFE0, v59  }
0x406: {  	v3 =	vor.u32 v3, v4  }
0x407: {  	v4 =	vperm.xlane v3, v0;
	_ =	sdelay $0x1  }
0x408: {  	v4 =	vadd.s32 v1, v4;
	_ =	sdelay $0x1  }
0x409: {  	v3 =	vperm.xlane v3, v2;
	_ =	sdelay $0x1  }
0x40a: {  	s24 =	simm.s32 $0x6800;
	v3 =	vadd.s32 v1, v3  }
0x40b: {  	[tilespmem:s24], [sflag:$0x1] =	stream.indirect_vreg.gather [hbm4b:s3+s4], $0x80, v4, vm0, $0xb8;
	[tilespmem:$0x10800] =	vst v63  }
0x40c: {  	s23 =	simm.s32 $0x7000  }
0x40d: {  	[tilespmem:s23], [sflag:$0x1] =	stream.indirect_vreg.gather [hbm4b:s6+s4], $0x80, v4, vm0, $0xb8;
	[tilespmem:$0x10800] =	vst v63  }
0x40e: {  	s17 =	simm.s32 $0x7800  }
0x40f: {  	[tilespmem:s17], [sflag:$0x1] =	stream.indirect_vreg.gather [hbm4b:s3+s4], $0x80, v3, vm0, $0xb8;
	[tilespmem:$0x10800] =	vst v63  }
0x410: {  	s10 =	simm.s32 $0x8000  }
0x411: {  	[tilespmem:s10], [sflag:$0x1] =	stream.indirect_vreg.gather [hbm4b:s6+s4], $0x80, v3, vm0, $0xb8;
	[tilespmem:$0x10800] =	vst v63  }
0x412: {  	s23 =	rddreg [dreg:$0x13]  }
0x413: {  	[hbm4b:s23+s4] =	stream.linear.scatter [tilespmem:s26], [sflag:$0x3], $0x8000, $0x38;
	[tilespmem:$0x10800] =	vst v63  }
0x414: {  	_ =	swait.ge [sflag:s8], $0x8000  }
0x415: {  	[sflag:s8] =	ssyncset.done $0x0  }
0x416: {  	[sflag:s8] =	ssyncadd.s32 $0xFFFF8000  }
0x417: {  	_ =	swait.ge [sflag:s25], $0x8000  }
0x418: {  	[sflag:s25] =	ssyncset.done $0x0  }
0x419: {  	[sflag:s25] =	ssyncadd.s32 $0xFFFF8000  }
0x41a: {  	v3 =	vld [tilespmem:$0x780];
	_ =	sdelay $0x4  }
0x41b: {  	v60 =	vshll.u32 v3, $0x2  }
0x41c: {  	v3 =	vand.u32 $0x7, v3;
	v4 =	vand.u32 $0xFFFFFFE0, v60  }
0x41d: {  	v3 =	vor.u32 v3, v4  }
0x41e: {  	v4 =	vperm.xlane v3, v0;
	_ =	sdelay $0x1  }
0x41f: {  	v4 =	vadd.s32 v1, v4;
	_ =	sdelay $0x1  }
0x420: {  	v3 =	vperm.xlane v3, v2;
	_ =	sdelay $0x1  }
0x421: {  	v3 =	vadd.s32 v1, v3  }
0x422: {  	[tilespmem:s26], [sflag:$0x2] =	stream.indirect_vreg.gather [hbm4b:s3+s4], $0x80, v4, vm0, $0xb8;
	[tilespmem:$0x10800] =	vst v63  }
0x423: {  	s11 =	simm.s32 $0x9000  }
0x424: {  	[tilespmem:s11], [sflag:$0x2] =	stream.indirect_vreg.gather [hbm4b:s6+s4], $0x80, v4, vm0, $0xb8;
	[tilespmem:$0x10800] =	vst v63  }
0x425: {  	s0 =	simm.s32 $0x9800  }
0x426: {  	[tilespmem:s0], [sflag:$0x2] =	stream.indirect_vreg.gather [hbm4b:s3+s4], $0x80, v3, vm0, $0xb8;
	[tilespmem:$0x10800] =	vst v63  }
0x427: {  	s2 =	simm.s32 $0xA000  }
0x428: {  	[tilespmem:s2], [sflag:$0x2] =	stream.indirect_vreg.gather [hbm4b:s6+s4], $0x80, v3, vm0, $0xb8;
	[tilespmem:$0x10800] =	vst v63  }
0x429: {  	v3 =	vld [tilespmem:$0x790];
	_ =	sdelay $0x4  }
0x42a: {  	v61 =	vshll.u32 v3, $0x2  }
0x42b: {  	v3 =	vand.u32 $0x7, v3;
	v4 =	vand.u32 $0xFFFFFFE0, v61  }
0x42c: {  	v3 =	vor.u32 v3, v4  }
0x42d: {  	v4 =	vperm.xlane v3, v0;
	_ =	sdelay $0x1  }
0x42e: {  	v4 =	vadd.s32 v1, v4;
	_ =	sdelay $0x1  }
0x42f: {  	v3 =	vperm.xlane v3, v2;
	_ =	sdelay $0x1  }
0x430: {  	s18 =	simm.s32 $0xA800;
	v3 =	vadd.s32 v1, v3  }
0x431: {  	[tilespmem:s18], [sflag:$0x2] =	stream.indirect_vreg.gather [hbm4b:s3+s4], $0x80, v4, vm0, $0xb8;
	[tilespmem:$0x10800] =	vst v63  }
0x432: {  	s7 =	simm.s32 $0xB000  }
0x433: {  	[tilespmem:s7], [sflag:$0x2] =	stream.indirect_vreg.gather [hbm4b:s6+s4], $0x80, v4, vm0, $0xb8;
	[tilespmem:$0x10800] =	vst v63  }
0x434: {  	s22 =	simm.s32 $0xB800  }
0x435: {  	[tilespmem:s22], [sflag:$0x2] =	stream.indirect_vreg.gather [hbm4b:s3+s4], $0x80, v3, vm0, $0xb8;
	[tilespmem:$0x10800] =	vst v63  }
0x436: {  	s12 =	simm.s32 $0xC000  }
0x437: {  	[tilespmem:s12], [sflag:$0x2] =	stream.indirect_vreg.gather [hbm4b:s6+s4], $0x80, v3, vm0, $0xb8;
	[tilespmem:$0x10800] =	vst v63  }
0x438: {  	v3 =	vld [tilespmem:$0x7A0];
	_ =	sdelay $0x4  }
0x439: {  	v62 =	vshll.u32 v3, $0x2  }
0x43a: {  	v3 =	vand.u32 $0x7, v3;
	v4 =	vand.u32 $0xFFFFFFE0, v62  }
0x43b: {  	v3 =	vor.u32 v3, v4  }
0x43c: {  	v4 =	vperm.xlane v3, v0;
	_ =	sdelay $0x1  }
0x43d: {  	v4 =	vadd.s32 v1, v4;
	_ =	sdelay $0x1  }
0x43e: {  	v3 =	vperm.xlane v3, v2;
	_ =	sdelay $0x1  }
0x43f: {  	s30 =	simm.s32 $0xC800;
	v3 =	vadd.s32 v1, v3  }
0x440: {  	[tilespmem:s30], [sflag:$0x2] =	stream.indirect_vreg.gather [hbm4b:s3+s4], $0x80, v4, vm0, $0xb8;
	[tilespmem:$0x10800] =	vst v63  }
0x441: {  	s31 =	simm.s32 $0xD000  }
0x442: {  	[tilespmem:s31], [sflag:$0x2] =	stream.indirect_vreg.gather [hbm4b:s6+s4], $0x80, v4, vm0, $0xb8;
	[tilespmem:$0x10800] =	vst v63  }
0x443: {  	s29 =	simm.s32 $0xD800  }
0x444: {  	[tilespmem:s29], [sflag:$0x2] =	stream.indirect_vreg.gather [hbm4b:s3+s4], $0x80, v3, vm0, $0xb8;
	[tilespmem:$0x10800] =	vst v63  }
0x445: {  	s28 =	simm.s32 $0xE000  }
0x446: {  	[tilespmem:s28], [sflag:$0x2] =	stream.indirect_vreg.gather [hbm4b:s6+s4], $0x80, v3, vm0, $0xb8;
	[tilespmem:$0x10800] =	vst v63  }
0x447: {  	v3 =	vld [tilespmem:$0x7B0];
	_ =	sdelay $0x4  }
0x448: {  	v63 =	vshll.u32 v3, $0x2  }
0x449: {  	v3 =	vand.u32 $0x7, v3;
	v4 =	vand.u32 $0xFFFFFFE0, v63  }
0x44a: {  	v3 =	vor.u32 v3, v4  }
0x44b: {  	v4 =	vperm.xlane v3, v0;
	_ =	sdelay $0x1  }
0x44c: {  	v4 =	vadd.s32 v1, v4;
	_ =	sdelay $0x1  }
0x44d: {  	v3 =	vperm.xlane v3, v2;
	_ =	sdelay $0x1  }
0x44e: {  	s21 =	simm.s32 $0xE800;
	v3 =	vadd.s32 v1, v3  }
0x44f: {  	[tilespmem:s21], [sflag:$0x2] =	stream.indirect_vreg.gather [hbm4b:s3+s4], $0x80, v4, vm0, $0xb8;
	[tilespmem:$0x10800] =	vst v63  }
0x450: {  	s13 =	simm.s32 $0xF000  }
0x451: {  	[tilespmem:s13], [sflag:$0x2] =	stream.indirect_vreg.gather [hbm4b:s6+s4], $0x80, v4, vm0, $0xb8;
	[tilespmem:$0x10800] =	vst v63  }
0x452: {  	s14 =	simm.s32 $0xF800  }
0x453: {  	[tilespmem:s14], [sflag:$0x2] =	stream.indirect_vreg.gather [hbm4b:s3+s4], $0x80, v3, vm0, $0xb8;
	[tilespmem:$0x10800] =	vst v63  }
0x454: {  	s15 =	simm.s32 $0x10000  }
0x455: {  	[tilespmem:s15], [sflag:$0x2] =	stream.indirect_vreg.gather [hbm4b:s6+s4], $0x80, v3, vm0, $0xb8;
	[tilespmem:$0x10800] =	vst v63  }
0x456: {  	s30 =	rddreg [dreg:$0x14]  }
0x457: {  	[hbm4b:s30+s4] =	stream.linear.scatter [tilespmem:s9], [sflag:$0x3], $0x8000, $0x38;
	[tilespmem:$0x10800] =	vst v63  }
0x458: {  	s24 =	rddreg [dreg:$0x17];
	_ =	swait.ge [sflag:s8], $0x8000  }
0x459: {  	[sflag:s8] =	ssyncset.done $0x0  }
0x45a: {  	[sflag:s8] =	ssyncadd.s32 $0xFFFF8000  }
0x45b: {  	_ =	swait.ge [sflag:s19], $0x8000  }
0x45c: {  	p0 =	sne.s32 s24, $0x1;
	[sflag:s19] =	ssyncset.done $0x0  }
.Ltmp0:
0x45d: {  	s31 =	rddreg [dreg:$0x15];
	[sflag:s19] =	ssyncadd.s32 $0xFFFF8000;
	(pc) =	sbr.rel @p0 .LBB2_1-.Ltmp0, $4  }
0x45e: {  	[hbm4b:s31+s4] =	stream.linear.scatter [tilespmem:s26], [sflag:$0x3], $0x8000, $0x38;
	[tilespmem:$0x10800] =	vst v63  }
0x45f: {  	_ =	swait.ge [sflag:s8], $0x8000  }
0x460: {  	[sflag:s8] =	ssyncset.done $0x0  }
0x461: {  	s2 =	sadd.s32 $0xFFFFFFFF, s24;
	[sflag:s8] =	ssyncadd.s32 $0xFFFF8000  }
0x462: {  	_ =	sfence.sel $0x180000  }
0x463: {  	[bflag:$0x0] =	sbarrier.arrive $0xFFFF  }
0x464: {  	_ =	strace $0x90000047  }
0x465: {  	s0 =	stileid.u32;
	[bflag:$0x2] =	sbarrier.arrive $0xFFFF  }
0x466: {  	p0 =	sne.s32 s0, $0x0;
	s0 =	rddreg [dreg:$0x3]  }
0x467: {  	s0 =	sadd.s32 @!p0 $0x100000, s0  }
0x468: {  	[sflag:s0] =	ssyncadd.tile.s32 @!p0 $0x1;
	_ =	shalt  }
.Lfunc_end2:
_tile_overlayer_lowered:
.L_overlay_start_2:
0x469: {  	(tag) =	ssettag $0x2  }
0x46a: {  	s0 =	rddreg [dreg:$0x0];
	s2 =	stileid.u32  }
0x46b: {  	s1 =	rddreg [dreg:$0x1];
	p0 =	sne.s32 s2, $0x0  }
0x46c: {  	s3 =	rddreg [dreg:$0x2];
	[bflag:$0x3] =	sbarrier.arrive $0xFFFF;
	s2 =	simm.s32 @!p0 $0x1C03  }
0x46d: {  	[timem:s3], [sflag:s2] =	dma.local @!p0 [hbm:s0], s1  }
0x46e: {  	s0 =	simm.s32 @!p0 $0x3  }
0x46f: {  	_ =	swait.ge @!p0 [sflag:s0], s1  }
0x470: {  	s1 =	ssub.s32 @!p0 $0x0, s1;
	[sflag:s0] =	ssyncset.done @!p0 $0x0  }
0x471: {  	[sflag:s0] =	ssyncadd.s32 @!p0 s1  }
0x472: {  	[bflag:$0x3] =	sbarrier.arrive $0xFFFF  }
0x473: {  	_ =	shalt  }

</sc_bundles>
